<compile_context>
chip_gen: v7x
topology: tpu7x:2x2x1
jax: 0.10.2.dev20260603
libtpu: 0.0.44.dev20260713+nightly
codegen_flags: <defaults>
</compile_context>

<pallas_src>
import functools

import jax
import jax.numpy as jnp
from jax import lax
from jax.experimental import pallas as pl
from jax.experimental.pallas import tpu as pltpu
from jax.experimental.pallas import tpu_sc as plsc

_BB = 256
_BN = 512
_LT = 128
_PAD_VAL = 1e4


_WIN0 = (0, 2000, 4000, 6000)
_WIN1 = (0, 5376, 10752)


def _argmin2_body(x_ref, w0_ref, w1_ref, i0_ref, i1_ref, rmin_ref, rarg_ref):
    xb = x_ref[...]
    x2 = jnp.sum(xb * xb, axis=1, keepdims=True)
    xb16 = xb.astype(jnp.bfloat16)
    lane = lax.broadcasted_iota(jnp.int32, (_BB, _LT), 1)

    def scan_group(w_ref, out_ref, wins):
        npad = w_ref.shape[0]
        bounds = list(wins) + [npad]
        cur_v = jnp.full((_BB, 1), jnp.inf, jnp.float32)
        cur_i = jnp.zeros((_BB, 1), jnp.int32)
        for q in range(len(bounds) - 1):
            lo, hi = bounds[q], bounds[q + 1]
            t0, t1 = lo // _LT, -(-hi // _LT)
            rmin_ref[...] = jnp.full((_BB, _LT), jnp.inf, jnp.float32)
            rarg_ref[...] = jnp.zeros((_BB, _LT), jnp.int32)

            def sub(t, carry, lo=lo, hi=hi):
                wt = w_ref[pl.ds(t * _LT, _LT), :]
                y2 = jnp.sum(wt * wt, axis=1)
                s = lax.dot_general(xb16, wt.astype(jnp.bfloat16),
                                    (((1,), (1,)), ((), ())),
                                    preferred_element_type=jnp.float32)
                d2 = (x2 + y2[None, :]) - 2.0 * s
                dist = jnp.sqrt(jnp.maximum(d2, 0.0))
                jg = lane + t * _LT
                dist = jnp.where((jg >= lo) & (jg < hi), dist,
                                 jnp.float32(jnp.inf))
                better = dist < rmin_ref[...]
                rarg_ref[...] = jnp.where(better, jg, rarg_ref[...])
                rmin_ref[...] = jnp.where(better, dist, rmin_ref[...])
                return carry

            lax.fori_loop(t0, t1, sub, 0)
            rm = rmin_ref[...]
            gmin = jnp.min(rm, axis=1, keepdims=True)
            garg = jnp.min(
                jnp.where(rm == gmin, rarg_ref[...], jnp.int32(2 ** 30)),
                axis=1, keepdims=True)
            take = gmin < cur_v
            cur_i = jnp.where(take, garg, cur_i)
            cur_v = jnp.where(take, gmin, cur_v)
            cur_v = cur_v.astype(jnp.bfloat16).astype(jnp.float32)
        out_ref[...] = cur_i

    scan_group(w0_ref, i0_ref, _WIN0)
    scan_group(w1_ref, i1_ref, _WIN1)


def _tc_argmin(x, w0, w1):
    B, D = x.shape
    return pl.pallas_call(
        _argmin2_body,
        grid=(B // _BB,),
        in_specs=[
            pl.BlockSpec((_BB, D), lambda b: (b, 0)),
            pl.BlockSpec(w0.shape, lambda b: (0, 0)),
            pl.BlockSpec(w1.shape, lambda b: (0, 0)),
        ],
        out_specs=[pl.BlockSpec((_BB, 1), lambda b: (b, 0)),
                   pl.BlockSpec((_BB, 1), lambda b: (b, 0))],
        out_shape=[jax.ShapeDtypeStruct((B, 1), jnp.int32),
                   jax.ShapeDtypeStruct((B, 1), jnp.int32)],
        scratch_shapes=[pltpu.VMEM((_BB, _LT), jnp.float32),
                        pltpu.VMEM((_BB, _LT), jnp.int32)],
        compiler_params=pltpu.CompilerParams(
            dimension_semantics=("arbitrary",)),
    )(x, w0, w1)


@functools.lru_cache(maxsize=None)
def _make_sc_gather(B, D, K0, K1):
    info = plsc.get_sparse_core_info()
    NC, NS, L = info.num_cores, info.num_subcores, info.num_lanes
    NW = NC * NS
    per_w = B // NW
    CH = 32
    n_chunks = per_w // CH
    sh0 = K0.bit_length() - 1
    sh1 = K1.bit_length() - 1
    mesh = plsc.VectorSubcoreMesh(core_axis_name="c", subcore_axis_name="s")

    @functools.partial(
        pl.kernel, mesh=mesh,
        out_type=(jax.ShapeDtypeStruct((B, D), jnp.float32),
                  jax.ShapeDtypeStruct((B, D), jnp.float32),
                  jax.ShapeDtypeStruct((B, K0 + K1, D), jnp.float32),
                  jax.ShapeDtypeStruct((B,), jnp.int32)),
        scratch_types=[
            pltpu.VMEM((CH,), jnp.int32),
            pltpu.VMEM((CH,), jnp.int32),
            pltpu.VMEM((CH,), jnp.int32),
            pltpu.VMEM((CH,), jnp.int32),
            pltpu.VMEM((CH, D), jnp.float32),
            pltpu.VMEM((CH, D), jnp.float32),
            pltpu.VMEM((CH, K0, D), jnp.float32),
            pltpu.VMEM((CH, K1, D), jnp.float32),
            pltpu.SemaphoreType.DMA,
        ])
    def gather_k(flat0, flat1, p0, p1, idx0_h, idx1_h,
                 near0_o, near1_o, set_o, cls_o,
                 i0v, i1v, c0v, c1v, n0v, n1v, s0v, s1v, sem):
        wid = lax.axis_index("s") * NC + lax.axis_index("c")

        def body(j, carry):
            base = wid * per_w + j * CH
            pltpu.sync_copy(idx0_h.at[pl.ds(base, CH)], i0v)
            pltpu.sync_copy(idx1_h.at[pl.ds(base, CH)], i1v)
            for t in range(CH // L):
                sl = pl.ds(t * L, L)
                c0v[sl] = jnp.right_shift(i0v[sl], sh0)
                c1v[sl] = jnp.right_shift(i1v[sl], sh1)
            pltpu.async_copy(flat0.at[i0v], n0v, sem).wait()
            pltpu.async_copy(flat1.at[i1v], n1v, sem).wait()
            pltpu.async_copy(p0.at[c0v], s0v, sem).wait()
            pltpu.async_copy(p1.at[c1v], s1v, sem).wait()
            pltpu.sync_copy(n0v, near0_o.at[pl.ds(base, CH)])
            pltpu.sync_copy(n1v, near1_o.at[pl.ds(base, CH)])
            pltpu.sync_copy(s0v, set_o.at[pl.ds(base, CH), pl.ds(0, K0)])
            pltpu.sync_copy(s1v, set_o.at[pl.ds(base, CH), pl.ds(K0, K1)])
            pltpu.sync_copy(c1v, cls_o.at[pl.ds(base, CH)])
            return carry

        lax.fori_loop(0, n_chunks, body, 0)

    return gather_k


def kernel(x, P0, P1):
    B, D = x.shape
    nb0, K0, _ = P0.shape
    nb1, K1, _ = P1.shape
    N0, N1 = nb0 * K0, nb1 * K1
    flat0 = P0.reshape(N0, D)
    flat1 = P1.reshape(N1, D)

    pad0 = (-N0) % _BN
    pad1 = (-N1) % _BN
    w0 = jnp.concatenate(
        [flat0, jnp.full((pad0, D), _PAD_VAL, jnp.float32)]) if pad0 else flat0
    w1 = jnp.concatenate(
        [flat1, jnp.full((pad1, D), _PAD_VAL, jnp.float32)]) if pad1 else flat1

    i0, i1 = _tc_argmin(x, w0, w1)
    idx0 = i0.reshape(B)
    idx1 = i1.reshape(B)

    near0, near1, pset, cls = _make_sc_gather(B, D, K0, K1)(
        w0, w1, P0, P1, idx0, idx1)
    nearest = jnp.stack([near0, near1], axis=1)
    return nearest, pset, cls

# --- scband reference (transcript-rebuilt; emitter-appended) ---
"""Pipeline reference for scband-prototype-network-66769561584357 (READ-ONLY COPY).

The authoritative reference and input builder live on the scoring server;
editing this copy changes nothing except your own understanding.
"""

import jax, jax.numpy as jnp
import numpy as np

NB_CLASSES = 1000
K_RANGE = (8, 16)
EMBED_DIM = 128
BATCH = 4096


def setup_inputs(seed: int = 0) -> dict:
    key = jax.random.key(seed)
    k1, k2, k3 = jax.random.split(key, 3)
    x = jax.random.normal(k1, (BATCH, EMBED_DIM), dtype=jnp.float32)
    # learned prototype parameters, one group per K in K_range
    P0 = jax.random.normal(k2, (NB_CLASSES, K_RANGE[0], EMBED_DIM), dtype=jnp.float32)
    P1 = jax.random.normal(k3, (NB_CLASSES, K_RANGE[1], EMBED_DIM), dtype=jnp.float32)
    return {"x": x, "P0": P0, "P1": P1}


def _cdist(x, y):
    # Euclidean distance (torch.cdist p=2) via the expanded form to avoid O(B*N*D) broadcast
    x2 = jnp.sum(x * x, axis=1, keepdims=True)
    y2 = jnp.sum(y * y, axis=1)[None, :]
    d2 = x2 + y2 - 2.0 * (x @ y.T)
    return jnp.sqrt(jnp.maximum(d2, 0.0))


def reference(x, P0, P1):
    groups = [P0, P1]
    nearest_list = []
    proto_set_list = []
    class_indices = None
    for P in groups:
        nb_classes, K, D = P.shape
        prototypes_flat = P.reshape(-1, D)
        dists = _cdist(x, prototypes_flat)
        idx_nearest = jnp.argmin(dists, axis=1)
        class_indices = idx_nearest // K
        nearest = prototypes_flat[idx_nearest]
        nearest_list.append(nearest)
        # prototypes_for_samples: gather the whole class group per sample
        proto_set_list.append(P[class_indices])
    nearest_prototypes = jnp.stack(nearest_list, axis=1)  # [B, len(K_range), D]
    prototype_set = jnp.concatenate(proto_set_list, axis=1)  # [B, sum(K_range), D]
    # class_indices from the last group, matching the original module's behavior
    return (nearest_prototypes, prototype_set, class_indices)

if __name__ == "__main__":
    import jax
    _d = setup_inputs()
    print(jax.jit(kernel)(*tuple(_d.values())))

</pallas_src>

<mosaic_0001>
#map = affine_map<(d0, d1) -> (0, 0)>
#map1 = affine_map<(d0, d1) -> (0, 0, 0)>
#map2 = affine_map<(d0, d1) -> (0)>
module attributes {stable_mosaic.version = 14 : i64} {
  func.func @gather_k(%arg0: i32, %arg1: i32, %arg2: memref<8192x128xf32, #tpu.memory_space<hbm>>, %arg3: memref<16384x128xf32, #tpu.memory_space<hbm>>, %arg4: memref<1000x8x128xf32, #tpu.memory_space<hbm>>, %arg5: memref<1000x16x128xf32, #tpu.memory_space<hbm>>, %arg6: memref<4096xi32, #tpu.memory_space<hbm>>, %arg7: memref<4096xi32, #tpu.memory_space<hbm>>, %arg8: memref<4096x128xf32, #tpu.memory_space<hbm>>, %arg9: memref<4096x128xf32, #tpu.memory_space<hbm>>, %arg10: memref<4096x24x128xf32, #tpu.memory_space<hbm>>, %arg11: memref<4096xi32, #tpu.memory_space<hbm>>, %arg12: memref<32xi32, #tpu.memory_space<vmem>>, %arg13: memref<32xi32, #tpu.memory_space<vmem>>, %arg14: memref<32xi32, #tpu.memory_space<vmem>>, %arg15: memref<32xi32, #tpu.memory_space<vmem>>, %arg16: memref<32x128xf32, #tpu.memory_space<vmem>>, %arg17: memref<32x128xf32, #tpu.memory_space<vmem>>, %arg18: memref<32x8x128xf32, #tpu.memory_space<vmem>>, %arg19: memref<32x16x128xf32, #tpu.memory_space<vmem>>, %arg20: memref<!tpu.dma_semaphore, #tpu.memory_space<semaphore_mem>>) attributes {dimension_semantics = [#tpu.dimension_semantics<core_parallel>, #tpu.dimension_semantics<subcore_parallel>], iteration_bounds = array<i64: 2, 16>, scalar_prefetch = 0 : i64, scratch_operands = 9 : i64, tpu.core_type = #tpu.core_type<sc_vector_subcore>, window_params = [{transform_indices = #map}, {transform_indices = #map}, {transform_indices = #map1}, {transform_indices = #map1}, {transform_indices = #map2}, {transform_indices = #map2}, {transform_indices = #map}, {transform_indices = #map}, {transform_indices = #map1}, {transform_indices = #map2}]} {
    %mul3A = arith.constant 2 : i32
    %mul3A_0 = arith.muli %arg1, %mul3A : i32
    %add3A = arith.addi %mul3A_0, %arg0 : i32
    %scan3A = arith.constant 0 : i32
    %scan3A_1 = arith.constant 0 : i32
    %scan3A_2 = arith.constant 4 : i32
    %scan3A_3 = arith.addi %scan3A_1, %scan3A_2 : i32
    %scan3A_4 = arith.constant 1 : i32
    scf.for %scan3A_6 = %scan3A_1 to %scan3A_3 step %scan3A_4  : i32 {
      %mul3A_7 = arith.constant 128 : i32
      %mul3A_8 = arith.muli %add3A, %mul3A_7 : i32
      %mul3A_9 = arith.constant 32 : i32
      %mul3A_10 = arith.muli %scan3A_6, %mul3A_9 : i32
      %add3A_11 = arith.addi %mul3A_8, %mul3A_10 : i32
      "tpu.region"() ({
        %run_scoped3A = tpu.sem_alloc : memref<!tpu.dma_semaphore, #tpu.memory_space<semaphore_mem>>
        %dma_start3A_75 = tpu.memref_slice %arg6[%add3A_11] : memref<4096xi32, #tpu.memory_space<hbm>> -> memref<32xi32, #tpu.memory_space<hbm>>
        %dma_start3A_76 = tpu.memref_slice %arg6[%add3A_11] : memref<4096xi32, #tpu.memory_space<hbm>> -> memref<32xi32, #tpu.memory_space<hbm>>
        tpu.enqueue_dma source(%dma_start3A_76 : memref<32xi32, #tpu.memory_space<hbm>>) target(%arg12 : memref<32xi32, #tpu.memory_space<vmem>>) target_semaphore(%run_scoped3A : memref<!tpu.dma_semaphore, #tpu.memory_space<semaphore_mem>>)
        %dma_wait3A_77 = tpu.memref_slice %arg6[%add3A_11] : memref<4096xi32, #tpu.memory_space<hbm>> -> memref<32xi32, #tpu.memory_space<hbm>>
        %dma_wait3A_78 = tpu.memref_slice %arg6[%add3A_11] : memref<4096xi32, #tpu.memory_space<hbm>> -> memref<32xi32, #tpu.memory_space<hbm>>
        tpu.wait_dma2 semaphore(%run_scoped3A : memref<!tpu.dma_semaphore, #tpu.memory_space<semaphore_mem>>) src(%dma_wait3A_78 : memref<32xi32, #tpu.memory_space<hbm>>) dst(%arg12 : memref<32xi32, #tpu.memory_space<vmem>>)
        tpu.yield
      }) : () -> ()
      "tpu.region"() ({
        %run_scoped3A = tpu.sem_alloc : memref<!tpu.dma_semaphore, #tpu.memory_space<semaphore_mem>>
        %dma_start3A_75 = tpu.memref_slice %arg7[%add3A_11] : memref<4096xi32, #tpu.memory_space<hbm>> -> memref<32xi32, #tpu.memory_space<hbm>>
        %dma_start3A_76 = tpu.memref_slice %arg7[%add3A_11] : memref<4096xi32, #tpu.memory_space<hbm>> -> memref<32xi32, #tpu.memory_space<hbm>>
        tpu.enqueue_dma source(%dma_start3A_76 : memref<32xi32, #tpu.memory_space<hbm>>) target(%arg13 : memref<32xi32, #tpu.memory_space<vmem>>) target_semaphore(%run_scoped3A : memref<!tpu.dma_semaphore, #tpu.memory_space<semaphore_mem>>)
        %dma_wait3A_77 = tpu.memref_slice %arg7[%add3A_11] : memref<4096xi32, #tpu.memory_space<hbm>> -> memref<32xi32, #tpu.memory_space<hbm>>
        %dma_wait3A_78 = tpu.memref_slice %arg7[%add3A_11] : memref<4096xi32, #tpu.memory_space<hbm>> -> memref<32xi32, #tpu.memory_space<hbm>>
        tpu.wait_dma2 semaphore(%run_scoped3A : memref<!tpu.dma_semaphore, #tpu.memory_space<semaphore_mem>>) src(%dma_wait3A_78 : memref<32xi32, #tpu.memory_space<hbm>>) dst(%arg13 : memref<32xi32, #tpu.memory_space<vmem>>)
        tpu.yield
      }) : () -> ()
      %get3A = arith.constant 0 : index
      %get3A_12 = tpu.vector_load %arg12[%get3A] {strides = array<i32>} : memref<32xi32, #tpu.memory_space<vmem>>, vector<16xi32>,
      %get3A_13 = vector.shape_cast %get3A_12 : vector<16xi32> to vector<16xi32>
      %shift_right_arithmetic3A = arith.constant 3 : i32
      %shift_right_arithmetic3A_14 = vector.broadcast %shift_right_arithmetic3A : i32 to vector<16xi32>
      %shift_right_arithmetic3A_15 = arith.shrsi %get3A_13, %shift_right_arithmetic3A_14 : vector<16xi32>
      %swap3A = arith.constant 0 : index
      %swap3A_16 = tpu.vector_load %arg14[%swap3A] {strides = array<i32>} : memref<32xi32, #tpu.memory_space<vmem>>, vector<16xi32>,
      %swap3A_17 = vector.shape_cast %swap3A_16 : vector<16xi32> to vector<16xi32>
      %swap3A_18 = vector.shape_cast %shift_right_arithmetic3A_15 : vector<16xi32> to vector<16xi32>
      tpu.vector_store %arg14[%swap3A], %swap3A_18 {strides = array<i32>} : memref<32xi32, #tpu.memory_space<vmem>>, vector<16xi32>,
      %get3A_19 = arith.constant 0 : index
      %get3A_20 = tpu.vector_load %arg13[%get3A_19] {strides = array<i32>} : memref<32xi32, #tpu.memory_space<vmem>>, vector<16xi32>,
      %get3A_21 = vector.shape_cast %get3A_20 : vector<16xi32> to vector<16xi32>
      %shift_right_arithmetic3A_22 = arith.constant 4 : i32
      %shift_right_arithmetic3A_23 = vector.broadcast %shift_right_arithmetic3A_22 : i32 to vector<16xi32>
      %shift_right_arithmetic3A_24 = arith.shrsi %get3A_21, %shift_right_arithmetic3A_23 : vector<16xi32>
      %swap3A_25 = arith.constant 0 : index
      %swap3A_26 = tpu.vector_load %arg15[%swap3A_25] {strides = array<i32>} : memref<32xi32, #tpu.memory_space<vmem>>, vector<16xi32>,
      %swap3A_27 = vector.shape_cast %swap3A_26 : vector<16xi32> to vector<16xi32>
      %swap3A_28 = vector.shape_cast %shift_right_arithmetic3A_24 : vector<16xi32> to vector<16xi32>
      tpu.vector_store %arg15[%swap3A_25], %swap3A_28 {strides = array<i32>} : memref<32xi32, #tpu.memory_space<vmem>>, vector<16xi32>,
      %get3A_29 = arith.constant 16 : index
      %get3A_30 = tpu.vector_load %arg12[%get3A_29] {strides = array<i32>} : memref<32xi32, #tpu.memory_space<vmem>>, vector<16xi32>,
      %get3A_31 = vector.shape_cast %get3A_30 : vector<16xi32> to vector<16xi32>
      %shift_right_arithmetic3A_32 = arith.constant 3 : i32
      %shift_right_arithmetic3A_33 = vector.broadcast %shift_right_arithmetic3A_32 : i32 to vector<16xi32>
      %shift_right_arithmetic3A_34 = arith.shrsi %get3A_31, %shift_right_arithmetic3A_33 : vector<16xi32>
      %swap3A_35 = arith.constant 16 : index
      %swap3A_36 = tpu.vector_load %arg14[%swap3A_35] {strides = array<i32>} : memref<32xi32, #tpu.memory_space<vmem>>, vector<16xi32>,
      %swap3A_37 = vector.shape_cast %swap3A_36 : vector<16xi32> to vector<16xi32>
      %swap3A_38 = vector.shape_cast %shift_right_arithmetic3A_34 : vector<16xi32> to vector<16xi32>
      tpu.vector_store %arg14[%swap3A_35], %swap3A_38 {strides = array<i32>} : memref<32xi32, #tpu.memory_space<vmem>>, vector<16xi32>,
      %get3A_39 = arith.constant 16 : index
      %get3A_40 = tpu.vector_load %arg13[%get3A_39] {strides = array<i32>} : memref<32xi32, #tpu.memory_space<vmem>>, vector<16xi32>,
      %get3A_41 = vector.shape_cast %get3A_40 : vector<16xi32> to vector<16xi32>
      %shift_right_arithmetic3A_42 = arith.constant 4 : i32
      %shift_right_arithmetic3A_43 = vector.broadcast %shift_right_arithmetic3A_42 : i32 to vector<16xi32>
      %shift_right_arithmetic3A_44 = arith.shrsi %get3A_41, %shift_right_arithmetic3A_43 : vector<16xi32>
      %swap3A_45 = arith.constant 16 : index
      %swap3A_46 = tpu.vector_load %arg15[%swap3A_45] {strides = array<i32>} : memref<32xi32, #tpu.memory_space<vmem>>, vector<16xi32>,
      %swap3A_47 = vector.shape_cast %swap3A_46 : vector<16xi32> to vector<16xi32>
      %swap3A_48 = vector.shape_cast %shift_right_arithmetic3A_44 : vector<16xi32> to vector<16xi32>
      tpu.vector_store %arg15[%swap3A_45], %swap3A_48 {strides = array<i32>} : memref<32xi32, #tpu.memory_space<vmem>>, vector<16xi32>,
      %dma_start3A = arith.constant 0 : i32
      %dma_start3A_49 = arith.constant 0 : i32
      %dma_start3A_50 = tpu.memref_slice %arg2[%dma_start3A, %dma_start3A_49] : memref<8192x128xf32, #tpu.memory_space<hbm>> -> memref<8192x128xf32, #tpu.memory_space<hbm>>
      tpu.enqueue_indirect_dma source(%dma_start3A_50 : memref<8192x128xf32, #tpu.memory_space<hbm>>) target(%arg16 : memref<32x128xf32, #tpu.memory_space<vmem>>) offsets(%arg12 : memref<32xi32, #tpu.memory_space<vmem>>) semaphore(%arg20 : memref<!tpu.dma_semaphore, #tpu.memory_space<semaphore_mem>>)
      %dma_wait3A = arith.constant 0 : i32
      %dma_wait3A_51 = arith.constant 0 : i32
      %dma_wait3A_52 = tpu.memref_slice %arg2[%dma_wait3A, %dma_wait3A_51] : memref<8192x128xf32, #tpu.memory_space<hbm>> -> memref<8192x128xf32, #tpu.memory_space<hbm>>
      tpu.wait_indirect_dma semaphore(%arg20 : memref<!tpu.dma_semaphore, #tpu.memory_space<semaphore_mem>>) src(%dma_wait3A_52 : memref<8192x128xf32, #tpu.memory_space<hbm>>) dst(%arg16 : memref<32x128xf32, #tpu.memory_space<vmem>>)
      %dma_start3A_53 = arith.constant 0 : i32
      %dma_start3A_54 = arith.constant 0 : i32
      %dma_start3A_55 = tpu.memref_slice %arg3[%dma_start3A_53, %dma_start3A_54] : memref<16384x128xf32, #tpu.memory_space<hbm>> -> memref<16384x128xf32, #tpu.memory_space<hbm>>
      tpu.enqueue_indirect_dma source(%dma_start3A_55 : memref<16384x128xf32, #tpu.memory_space<hbm>>) target(%arg17 : memref<32x128xf32, #tpu.memory_space<vmem>>) offsets(%arg13 : memref<32xi32, #tpu.memory_space<vmem>>) semaphore(%arg20 : memref<!tpu.dma_semaphore, #tpu.memory_space<semaphore_mem>>)
      %dma_wait3A_56 = arith.constant 0 : i32
      %dma_wait3A_57 = arith.constant 0 : i32
      %dma_wait3A_58 = tpu.memref_slice %arg3[%dma_wait3A_56, %dma_wait3A_57] : memref<16384x128xf32, #tpu.memory_space<hbm>> -> memref<16384x128xf32, #tpu.memory_space<hbm>>
      tpu.wait_indirect_dma semaphore(%arg20 : memref<!tpu.dma_semaphore, #tpu.memory_space<semaphore_mem>>) src(%dma_wait3A_58 : memref<16384x128xf32, #tpu.memory_space<hbm>>) dst(%arg17 : memref<32x128xf32, #tpu.memory_space<vmem>>)
      %dma_start3A_59 = arith.constant 0 : i32
      %dma_start3A_60 = arith.constant 0 : i32
      %dma_start3A_61 = arith.constant 0 : i32
      %dma_start3A_62 = tpu.memref_slice %arg4[%dma_start3A_59, %dma_start3A_60, %dma_start3A_61] : memref<1000x8x128xf32, #tpu.memory_space<hbm>> -> memref<1000x8x128xf32, #tpu.memory_space<hbm>>
      tpu.enqueue_indirect_dma source(%dma_start3A_62 : memref<1000x8x128xf32, #tpu.memory_space<hbm>>) target(%arg18 : memref<32x8x128xf32, #tpu.memory_space<vmem>>) offsets(%arg14 : memref<32xi32, #tpu.memory_space<vmem>>) semaphore(%arg20 : memref<!tpu.dma_semaphore, #tpu.memory_space<semaphore_mem>>)
      %dma_wait3A_63 = arith.constant 0 : i32
      %dma_wait3A_64 = arith.constant 0 : i32
      %dma_wait3A_65 = arith.constant 0 : i32
      %dma_wait3A_66 = tpu.memref_slice %arg4[%dma_wait3A_63, %dma_wait3A_64, %dma_wait3A_65] : memref<1000x8x128xf32, #tpu.memory_space<hbm>> -> memref<1000x8x128xf32, #tpu.memory_space<hbm>>
      tpu.wait_indirect_dma semaphore(%arg20 : memref<!tpu.dma_semaphore, #tpu.memory_space<semaphore_mem>>) src(%dma_wait3A_66 : memref<1000x8x128xf32, #tpu.memory_space<hbm>>) dst(%arg18 : memref<32x8x128xf32, #tpu.memory_space<vmem>>)
      %dma_start3A_67 = arith.constant 0 : i32
      %dma_start3A_68 = arith.constant 0 : i32
      %dma_start3A_69 = arith.constant 0 : i32
      %dma_start3A_70 = tpu.memref_slice %arg5[%dma_start3A_67, %dma_start3A_68, %dma_start3A_69] : memref<1000x16x128xf32, #tpu.memory_space<hbm>> -> memref<1000x16x128xf32, #tpu.memory_space<hbm>>
      tpu.enqueue_indirect_dma source(%dma_start3A_70 : memref<1000x16x128xf32, #tpu.memory_space<hbm>>) target(%arg19 : memref<32x16x128xf32, #tpu.memory_space<vmem>>) offsets(%arg15 : memref<32xi32, #tpu.memory_space<vmem>>) semaphore(%arg20 : memref<!tpu.dma_semaphore, #tpu.memory_space<semaphore_mem>>)
      %dma_wait3A_71 = arith.constant 0 : i32
      %dma_wait3A_72 = arith.constant 0 : i32
      %dma_wait3A_73 = arith.constant 0 : i32
      %dma_wait3A_74 = tpu.memref_slice %arg5[%dma_wait3A_71, %dma_wait3A_72, %dma_wait3A_73] : memref<1000x16x128xf32, #tpu.memory_space<hbm>> -> memref<1000x16x128xf32, #tpu.memory_space<hbm>>
      tpu.wait_indirect_dma semaphore(%arg20 : memref<!tpu.dma_semaphore, #tpu.memory_space<semaphore_mem>>) src(%dma_wait3A_74 : memref<1000x16x128xf32, #tpu.memory_space<hbm>>) dst(%arg19 : memref<32x16x128xf32, #tpu.memory_space<vmem>>)
      "tpu.region"() ({
        %run_scoped3A = tpu.sem_alloc : memref<!tpu.dma_semaphore, #tpu.memory_space<semaphore_mem>>
        %dma_start3A_75 = arith.constant 0 : i32
        %dma_start3A_76 = tpu.memref_slice %arg8[%add3A_11, %dma_start3A_75] : memref<4096x128xf32, #tpu.memory_space<hbm>> -> memref<32x128xf32, #tpu.memory_space<hbm>>
        %dma_start3A_77 = arith.constant 0 : i32
        %dma_start3A_78 = tpu.memref_slice %arg8[%add3A_11, %dma_start3A_77] : memref<4096x128xf32, #tpu.memory_space<hbm>> -> memref<32x128xf32, #tpu.memory_space<hbm>>
        tpu.enqueue_dma source(%arg16 : memref<32x128xf32, #tpu.memory_space<vmem>>) target(%dma_start3A_78 : memref<32x128xf32, #tpu.memory_space<hbm>>) target_semaphore(%run_scoped3A : memref<!tpu.dma_semaphore, #tpu.memory_space<semaphore_mem>>)
        %dma_wait3A_79 = arith.constant 0 : i32
        %dma_wait3A_80 = tpu.memref_slice %arg8[%add3A_11, %dma_wait3A_79] : memref<4096x128xf32, #tpu.memory_space<hbm>> -> memref<32x128xf32, #tpu.memory_space<hbm>>
        %dma_wait3A_81 = arith.constant 0 : i32
        %dma_wait3A_82 = tpu.memref_slice %arg8[%add3A_11, %dma_wait3A_81] : memref<4096x128xf32, #tpu.memory_space<hbm>> -> memref<32x128xf32, #tpu.memory_space<hbm>>
        tpu.wait_dma2 semaphore(%run_scoped3A : memref<!tpu.dma_semaphore, #tpu.memory_space<semaphore_mem>>) src(%arg16 : memref<32x128xf32, #tpu.memory_space<vmem>>) dst(%dma_wait3A_82 : memref<32x128xf32, #tpu.memory_space<hbm>>)
        tpu.yield
      }) : () -> ()
      "tpu.region"() ({
        %run_scoped3A = tpu.sem_alloc : memref<!tpu.dma_semaphore, #tpu.memory_space<semaphore_mem>>
        %dma_start3A_75 = arith.constant 0 : i32
        %dma_start3A_76 = tpu.memref_slice %arg9[%add3A_11, %dma_start3A_75] : memref<4096x128xf32, #tpu.memory_space<hbm>> -> memref<32x128xf32, #tpu.memory_space<hbm>>
        %dma_start3A_77 = arith.constant 0 : i32
        %dma_start3A_78 = tpu.memref_slice %arg9[%add3A_11, %dma_start3A_77] : memref<4096x128xf32, #tpu.memory_space<hbm>> -> memref<32x128xf32, #tpu.memory_space<hbm>>
        tpu.enqueue_dma source(%arg17 : memref<32x128xf32, #tpu.memory_space<vmem>>) target(%dma_start3A_78 : memref<32x128xf32, #tpu.memory_space<hbm>>) target_semaphore(%run_scoped3A : memref<!tpu.dma_semaphore, #tpu.memory_space<semaphore_mem>>)
        %dma_wait3A_79 = arith.constant 0 : i32
        %dma_wait3A_80 = tpu.memref_slice %arg9[%add3A_11, %dma_wait3A_79] : memref<4096x128xf32, #tpu.memory_space<hbm>> -> memref<32x128xf32, #tpu.memory_space<hbm>>
        %dma_wait3A_81 = arith.constant 0 : i32
        %dma_wait3A_82 = tpu.memref_slice %arg9[%add3A_11, %dma_wait3A_81] : memref<4096x128xf32, #tpu.memory_space<hbm>> -> memref<32x128xf32, #tpu.memory_space<hbm>>
        tpu.wait_dma2 semaphore(%run_scoped3A : memref<!tpu.dma_semaphore, #tpu.memory_space<semaphore_mem>>) src(%arg17 : memref<32x128xf32, #tpu.memory_space<vmem>>) dst(%dma_wait3A_82 : memref<32x128xf32, #tpu.memory_space<hbm>>)
        tpu.yield
      }) : () -> ()
      "tpu.region"() ({
        %run_scoped3A = tpu.sem_alloc : memref<!tpu.dma_semaphore, #tpu.memory_space<semaphore_mem>>
        %dma_start3A_75 = arith.constant 0 : i32
        %dma_start3A_76 = arith.constant 0 : i32
        %dma_start3A_77 = tpu.memref_slice %arg10[%add3A_11, %dma_start3A_75, %dma_start3A_76] : memref<4096x24x128xf32, #tpu.memory_space<hbm>> -> memref<32x8x128xf32, #tpu.memory_space<hbm>>
        %dma_start3A_78 = arith.constant 0 : i32
        %dma_start3A_79 = arith.constant 0 : i32
        %dma_start3A_80 = tpu.memref_slice %arg10[%add3A_11, %dma_start3A_78, %dma_start3A_79] : memref<4096x24x128xf32, #tpu.memory_space<hbm>> -> memref<32x8x128xf32, #tpu.memory_space<hbm>>
        tpu.enqueue_dma source(%arg18 : memref<32x8x128xf32, #tpu.memory_space<vmem>>) target(%dma_start3A_80 : memref<32x8x128xf32, #tpu.memory_space<hbm>>) target_semaphore(%run_scoped3A : memref<!tpu.dma_semaphore, #tpu.memory_space<semaphore_mem>>)
        %dma_wait3A_81 = arith.constant 0 : i32
        %dma_wait3A_82 = arith.constant 0 : i32
        %dma_wait3A_83 = tpu.memref_slice %arg10[%add3A_11, %dma_wait3A_81, %dma_wait3A_82] : memref<4096x24x128xf32, #tpu.memory_space<hbm>> -> memref<32x8x128xf32, #tpu.memory_space<hbm>>
        %dma_wait3A_84 = arith.constant 0 : i32
        %dma_wait3A_85 = arith.constant 0 : i32
        %dma_wait3A_86 = tpu.memref_slice %arg10[%add3A_11, %dma_wait3A_84, %dma_wait3A_85] : memref<4096x24x128xf32, #tpu.memory_space<hbm>> -> memref<32x8x128xf32, #tpu.memory_space<hbm>>
        tpu.wait_dma2 semaphore(%run_scoped3A : memref<!tpu.dma_semaphore, #tpu.memory_space<semaphore_mem>>) src(%arg18 : memref<32x8x128xf32, #tpu.memory_space<vmem>>) dst(%dma_wait3A_86 : memref<32x8x128xf32, #tpu.memory_space<hbm>>)
        tpu.yield
      }) : () -> ()
      "tpu.region"() ({
        %run_scoped3A = tpu.sem_alloc : memref<!tpu.dma_semaphore, #tpu.memory_space<semaphore_mem>>
        %dma_start3A_75 = arith.constant 8 : i32
        %dma_start3A_76 = arith.constant 0 : i32
        %dma_start3A_77 = tpu.memref_slice %arg10[%add3A_11, %dma_start3A_75, %dma_start3A_76] : memref<4096x24x128xf32, #tpu.memory_space<hbm>> -> memref<32x16x128xf32, #tpu.memory_space<hbm>>
        %dma_start3A_78 = arith.constant 8 : i32
        %dma_start3A_79 = arith.constant 0 : i32
        %dma_start3A_80 = tpu.memref_slice %arg10[%add3A_11, %dma_start3A_78, %dma_start3A_79] : memref<4096x24x128xf32, #tpu.memory_space<hbm>> -> memref<32x16x128xf32, #tpu.memory_space<hbm>>
        tpu.enqueue_dma source(%arg19 : memref<32x16x128xf32, #tpu.memory_space<vmem>>) target(%dma_start3A_80 : memref<32x16x128xf32, #tpu.memory_space<hbm>>) target_semaphore(%run_scoped3A : memref<!tpu.dma_semaphore, #tpu.memory_space<semaphore_mem>>)
        %dma_wait3A_81 = arith.constant 8 : i32
        %dma_wait3A_82 = arith.constant 0 : i32
        %dma_wait3A_83 = tpu.memref_slice %arg10[%add3A_11, %dma_wait3A_81, %dma_wait3A_82] : memref<4096x24x128xf32, #tpu.memory_space<hbm>> -> memref<32x16x128xf32, #tpu.memory_space<hbm>>
        %dma_wait3A_84 = arith.constant 8 : i32
        %dma_wait3A_85 = arith.constant 0 : i32
        %dma_wait3A_86 = tpu.memref_slice %arg10[%add3A_11, %dma_wait3A_84, %dma_wait3A_85] : memref<4096x24x128xf32, #tpu.memory_space<hbm>> -> memref<32x16x128xf32, #tpu.memory_space<hbm>>
        tpu.wait_dma2 semaphore(%run_scoped3A : memref<!tpu.dma_semaphore, #tpu.memory_space<semaphore_mem>>) src(%arg19 : memref<32x16x128xf32, #tpu.memory_space<vmem>>) dst(%dma_wait3A_86 : memref<32x16x128xf32, #tpu.memory_space<hbm>>)
        tpu.yield
      }) : () -> ()
      "tpu.region"() ({
        %run_scoped3A = tpu.sem_alloc : memref<!tpu.dma_semaphore, #tpu.memory_space<semaphore_mem>>
        %dma_start3A_75 = tpu.memref_slice %arg11[%add3A_11] : memref<4096xi32, #tpu.memory_space<hbm>> -> memref<32xi32, #tpu.memory_space<hbm>>
        %dma_start3A_76 = tpu.memref_slice %arg11[%add3A_11] : memref<4096xi32, #tpu.memory_space<hbm>> -> memref<32xi32, #tpu.memory_space<hbm>>
        tpu.enqueue_dma source(%arg15 : memref<32xi32, #tpu.memory_space<vmem>>) target(%dma_start3A_76 : memref<32xi32, #tpu.memory_space<hbm>>) target_semaphore(%run_scoped3A : memref<!tpu.dma_semaphore, #tpu.memory_space<semaphore_mem>>)
        %dma_wait3A_77 = tpu.memref_slice %arg11[%add3A_11] : memref<4096xi32, #tpu.memory_space<hbm>> -> memref<32xi32, #tpu.memory_space<hbm>>
        %dma_wait3A_78 = tpu.memref_slice %arg11[%add3A_11] : memref<4096xi32, #tpu.memory_space<hbm>> -> memref<32xi32, #tpu.memory_space<hbm>>
        tpu.wait_dma2 semaphore(%run_scoped3A : memref<!tpu.dma_semaphore, #tpu.memory_space<semaphore_mem>>) src(%arg15 : memref<32xi32, #tpu.memory_space<vmem>>) dst(%dma_wait3A_78 : memref<32xi32, #tpu.memory_space<hbm>>)
        tpu.yield
      }) : () -> ()
    }
    %scan3A_5 = arith.constant 4 : i32
    return
  }
}

module attributes {stable_mosaic.version = 14 : i64} {
  func.func @_argmin2_body(%arg0: i32, %arg1: memref<256x128xf32, #tpu.memory_space<vmem>>, %arg2: memref<8192x128xf32, #tpu.memory_space<vmem>>, %arg3: memref<16384x128xf32, #tpu.memory_space<vmem>>, %arg4: memref<256x1xi32, #tpu.memory_space<vmem>>, %arg5: memref<256x1xi32, #tpu.memory_space<vmem>>, %arg6: memref<256x128xf32, #tpu.memory_space<vmem>>, %arg7: memref<256x128xi32, #tpu.memory_space<vmem>>) attributes {dimension_semantics = [#tpu.dimension_semantics<arbitrary>], iteration_bounds = array<i64: 16>, scalar_prefetch = 0 : i64, scratch_operands = 2 : i64, tpu.core_type = #tpu.core_type<tc>, window_params = [{transform_indices = @transform_0, window_bounds = array<i64: 256, 128>}, {pipeline_mode = #tpu.pipeline_mode<synchronous>, transform_indices = @transform_1, window_bounds = array<i64: 8192, 128>}, {pipeline_mode = #tpu.pipeline_mode<synchronous>, transform_indices = @transform_2, window_bounds = array<i64: 16384, 128>}, {transform_indices = @transform_3, window_bounds = array<i64: 256, 1>}, {transform_indices = @transform_4, window_bounds = array<i64: 256, 1>}]} {
    %get3A = arith.constant 0 : index
    %get3A_0 = arith.constant 0 : index
    %get3A_1 = vector.load %arg1[%get3A, %get3A_0] : memref<256x128xf32, #tpu.memory_space<vmem>>, vector<256x128xf32>
    %mul3A = arith.mulf %get3A_1, %get3A_1 : vector<256x128xf32>
    %reduce_sum3A = arith.constant dense<0.000000e+00> : vector<256xf32>
    %reduce_sum3A_2 = vector.multi_reduction <add>, %mul3A, %reduce_sum3A [1] : vector<256x128xf32> to vector<256xf32>
    %broadcast_in_dim3A = vector.shape_cast %reduce_sum3A_2 : vector<256xf32> to vector<256x1xf32>
    %convert_element_type3A = arith.truncf %get3A_1 : vector<256x128xf32> to vector<256x128xbf16>
    %iota3A = tpu.iota {dimensions = array<i32: 1>} : vector<256x128xi32>
    %broadcast_in_dim3A_3 = arith.constant 0x7F800000 : f32
    %broadcast_in_dim3A_4 = vector.broadcast %broadcast_in_dim3A_3 : f32 to vector<256x1xf32>
    %broadcast_in_dim3A_5 = arith.constant 0 : i32
    %broadcast_in_dim3A_6 = vector.broadcast %broadcast_in_dim3A_5 : i32 to vector<256x1xi32>
    %broadcast_in_dim3A_7 = arith.constant 0x7F800000 : f32
    %broadcast_in_dim3A_8 = vector.broadcast %broadcast_in_dim3A_7 : f32 to vector<256x128xf32>
    %swap3A = arith.constant 0 : index
    %swap3A_9 = arith.constant 0 : index
    %swap3A_10 = vector.load %arg6[%swap3A, %swap3A_9] : memref<256x128xf32, #tpu.memory_space<vmem>>, vector<256x128xf32>
    tpu.vector_store %arg6[%swap3A, %swap3A_9], %broadcast_in_dim3A_8 {strides = array<i32>} : memref<256x128xf32, #tpu.memory_space<vmem>>, vector<256x128xf32>,
    %broadcast_in_dim3A_11 = arith.constant 0 : i32
    %broadcast_in_dim3A_12 = vector.broadcast %broadcast_in_dim3A_11 : i32 to vector<256x128xi32>
    %swap3A_13 = arith.constant 0 : index
    %swap3A_14 = arith.constant 0 : index
    %swap3A_15 = vector.load %arg7[%swap3A_13, %swap3A_14] : memref<256x128xi32, #tpu.memory_space<vmem>>, vector<256x128xi32>
    tpu.vector_store %arg7[%swap3A_13, %swap3A_14], %broadcast_in_dim3A_12 {strides = array<i32>} : memref<256x128xi32, #tpu.memory_space<vmem>>, vector<256x128xi32>,
    %scan3A = arith.constant 0 : i32
    %scan3A_16 = arith.constant 16 : i32
    %scan3A_17 = arith.addi %scan3A, %scan3A_16 : i32
    %scan3A_18 = arith.constant 1 : i32
    scf.for %scan3A_263 = %scan3A to %scan3A_17 step %scan3A_18  : i32 {
      %mul3A_264 = arith.constant 128 : i32
      %mul3A_265 = arith.muli %scan3A_263, %mul3A_264 : i32
      %get3A_266 = arith.index_cast %mul3A_265 : i32 to index
      %get3A_267 = arith.constant 0 : index
      %get3A_268 = vector.load %arg2[%get3A_266, %get3A_267] : memref<8192x128xf32, #tpu.memory_space<vmem>>, vector<128x128xf32>
      %mul3A_269 = arith.mulf %get3A_268, %get3A_268 : vector<128x128xf32>
      %reduce_sum3A_270 = arith.constant dense<0.000000e+00> : vector<128xf32>
      %reduce_sum3A_271 = vector.multi_reduction <add>, %mul3A_269, %reduce_sum3A_270 [1] : vector<128x128xf32> to vector<128xf32>
      %convert_element_type3A_272 = arith.truncf %get3A_268 : vector<128x128xf32> to vector<128x128xbf16>
      %dot_general3A = arith.constant dense<0.000000e+00> : vector<256x128xf32>
      %dot_general3A_273 = tpu.matmul %convert_element_type3A, %convert_element_type3A_272, %dot_general3A {dimension_numbers = #tpu.dot_dimension_numbers<[1], [1], [0], [0], [0, 0, 1, 0], [], []>, transpose_lhs_hint = false} : vector<256x128xbf16>, vector<128x128xbf16>, vector<256x128xf32> -> vector<256x128xf32>
      %broadcast_in_dim3A_274 = vector.shape_cast %reduce_sum3A_271 : vector<128xf32> to vector<1x128xf32>
      %add3A = vector.broadcast %broadcast_in_dim3A : vector<256x1xf32> to vector<256x128xf32>
      %add3A_275 = vector.broadcast %broadcast_in_dim3A_274 : vector<1x128xf32> to vector<256x128xf32>
      %add3A_276 = arith.addf %add3A, %add3A_275 : vector<256x128xf32>
      %mul3A_277 = arith.constant 2.000000e+00 : f32
      %mul3A_278 = vector.broadcast %mul3A_277 : f32 to vector<256x128xf32>
      %mul3A_279 = arith.mulf %mul3A_278, %dot_general3A_273 : vector<256x128xf32>
      %sub3A = arith.subf %add3A_276, %mul3A_279 : vector<256x128xf32>
      %max3A = arith.constant 0.000000e+00 : f32
      %max3A_280 = vector.broadcast %max3A : f32 to vector<256x128xf32>
      %max3A_281 = arith.maximumf %sub3A, %max3A_280 : vector<256x128xf32>
      %sqrt3A = math.sqrt %max3A_281 : vector<256x128xf32>
      %mul3A_282 = arith.constant 128 : i32
      %mul3A_283 = arith.muli %scan3A_263, %mul3A_282 : i32
      %add3A_284 = vector.broadcast %mul3A_283 : i32 to vector<256x128xi32>
      %add3A_285 = arith.addi %iota3A, %add3A_284 : vector<256x128xi32>
      %ge3A = arith.constant 0 : i32
      %ge3A_286 = vector.broadcast %ge3A : i32 to vector<256x128xi32>
      %ge3A_287 = arith.cmpi sge, %add3A_285, %ge3A_286 : vector<256x128xi32>
      %lt3A_288 = arith.constant 2000 : i32
      %lt3A_289 = vector.broadcast %lt3A_288 : i32 to vector<256x128xi32>
      %lt3A_290 = arith.cmpi slt, %add3A_285, %lt3A_289 : vector<256x128xi32>
      %and3A = arith.andi %ge3A_287, %lt3A_290 : vector<256x128xi1>
      %jit3A_291 = arith.constant 0x7F800000 : f32
      %broadcast_in_dim3A_292 = vector.broadcast %jit3A_291 : f32 to vector<256x128xf32>
      %select_n3A_293 = arith.select %and3A, %sqrt3A, %broadcast_in_dim3A_292 : vector<256x128xi1>, vector<256x128xf32>
      %get3A_294 = arith.constant 0 : index
      %get3A_295 = arith.constant 0 : index
      %get3A_296 = vector.load %arg6[%get3A_294, %get3A_295] : memref<256x128xf32, #tpu.memory_space<vmem>>, vector<256x128xf32>
      %lt3A_297 = arith.cmpf olt, %select_n3A_293, %get3A_296 : vector<256x128xf32>
      %get3A_298 = arith.constant 0 : index
      %get3A_299 = arith.constant 0 : index
      %get3A_300 = vector.load %arg7[%get3A_298, %get3A_299] : memref<256x128xi32, #tpu.memory_space<vmem>>, vector<256x128xi32>
      %select_n3A_301 = arith.select %lt3A_297, %add3A_285, %get3A_300 : vector<256x128xi1>, vector<256x128xi32>
      %swap3A_302 = arith.constant 0 : index
      %swap3A_303 = arith.constant 0 : index
      %swap3A_304 = vector.load %arg7[%swap3A_302, %swap3A_303] : memref<256x128xi32, #tpu.memory_space<vmem>>, vector<256x128xi32>
      tpu.vector_store %arg7[%swap3A_302, %swap3A_303], %select_n3A_301 {strides = array<i32>} : memref<256x128xi32, #tpu.memory_space<vmem>>, vector<256x128xi32>,
      %get3A_305 = arith.constant 0 : index
      %get3A_306 = arith.constant 0 : index
      %get3A_307 = vector.load %arg6[%get3A_305, %get3A_306] : memref<256x128xf32, #tpu.memory_space<vmem>>, vector<256x128xf32>
      %select_n3A_308 = arith.select %lt3A_297, %select_n3A_293, %get3A_307 : vector<256x128xi1>, vector<256x128xf32>
      %swap3A_309 = arith.constant 0 : index
      %swap3A_310 = arith.constant 0 : index
      %swap3A_311 = vector.load %arg6[%swap3A_309, %swap3A_310] : memref<256x128xf32, #tpu.memory_space<vmem>>, vector<256x128xf32>
      tpu.vector_store %arg6[%swap3A_309, %swap3A_310], %select_n3A_308 {strides = array<i32>} : memref<256x128xf32, #tpu.memory_space<vmem>>, vector<256x128xf32>,
    }
    %scan3A_19 = arith.constant 16 : i32
    %get3A_20 = arith.constant 0 : index
    %get3A_21 = arith.constant 0 : index
    %get3A_22 = vector.load %arg6[%get3A_20, %get3A_21] : memref<256x128xf32, #tpu.memory_space<vmem>>, vector<256x128xf32>
    %reduce_min3A = arith.constant dense<0x7F800000> : vector<256xf32>
    %reduce_min3A_23 = vector.multi_reduction <minimumf>, %get3A_22, %reduce_min3A [1] : vector<256x128xf32> to vector<256xf32>
    %broadcast_in_dim3A_24 = vector.shape_cast %reduce_min3A_23 : vector<256xf32> to vector<256x1xf32>
    %eq3A = vector.broadcast %broadcast_in_dim3A_24 : vector<256x1xf32> to vector<256x128xf32>
    %eq3A_25 = arith.cmpf oeq, %get3A_22, %eq3A : vector<256x128xf32>
    %get3A_26 = arith.constant 0 : index
    %get3A_27 = arith.constant 0 : index
    %get3A_28 = vector.load %arg7[%get3A_26, %get3A_27] : memref<256x128xi32, #tpu.memory_space<vmem>>, vector<256x128xi32>
    %jit3A = arith.constant 1073741824 : i32
    %broadcast_in_dim3A_29 = vector.broadcast %jit3A : i32 to vector<256x128xi32>
    %select_n3A = arith.select %eq3A_25, %get3A_28, %broadcast_in_dim3A_29 : vector<256x128xi1>, vector<256x128xi32>
    %reduce_min3A_30 = arith.constant dense<2147483647> : vector<256xi32>
    %reduce_min3A_31 = vector.multi_reduction <minsi>, %select_n3A, %reduce_min3A_30 [1] : vector<256x128xi32> to vector<256xi32>
    %broadcast_in_dim3A_32 = vector.shape_cast %reduce_min3A_31 : vector<256xi32> to vector<256x1xi32>
    %lt3A = arith.cmpf olt, %broadcast_in_dim3A_24, %broadcast_in_dim3A_4 : vector<256x1xf32>
    %select_n3A_33 = arith.select %lt3A, %broadcast_in_dim3A_32, %broadcast_in_dim3A_6 : vector<256x1xi1>, vector<256x1xi32>
    %select_n3A_34 = arith.select %lt3A, %broadcast_in_dim3A_24, %broadcast_in_dim3A_4 : vector<256x1xi1>, vector<256x1xf32>
    %convert_element_type3A_35 = arith.truncf %select_n3A_34 : vector<256x1xf32> to vector<256x1xbf16>
    %convert_element_type3A_36 = arith.extf %convert_element_type3A_35 : vector<256x1xbf16> to vector<256x1xf32>
    %broadcast_in_dim3A_37 = arith.constant 0x7F800000 : f32
    %broadcast_in_dim3A_38 = vector.broadcast %broadcast_in_dim3A_37 : f32 to vector<256x128xf32>
    %swap3A_39 = arith.constant 0 : index
    %swap3A_40 = arith.constant 0 : index
    %swap3A_41 = vector.load %arg6[%swap3A_39, %swap3A_40] : memref<256x128xf32, #tpu.memory_space<vmem>>, vector<256x128xf32>
    tpu.vector_store %arg6[%swap3A_39, %swap3A_40], %broadcast_in_dim3A_38 {strides = array<i32>} : memref<256x128xf32, #tpu.memory_space<vmem>>, vector<256x128xf32>,
    %broadcast_in_dim3A_42 = arith.constant 0 : i32
    %broadcast_in_dim3A_43 = vector.broadcast %broadcast_in_dim3A_42 : i32 to vector<256x128xi32>
    %swap3A_44 = arith.constant 0 : index
    %swap3A_45 = arith.constant 0 : index
    %swap3A_46 = vector.load %arg7[%swap3A_44, %swap3A_45] : memref<256x128xi32, #tpu.memory_space<vmem>>, vector<256x128xi32>
    tpu.vector_store %arg7[%swap3A_44, %swap3A_45], %broadcast_in_dim3A_43 {strides = array<i32>} : memref<256x128xi32, #tpu.memory_space<vmem>>, vector<256x128xi32>,
    %scan3A_47 = arith.constant 15 : i32
    %scan3A_48 = arith.constant 17 : i32
    %scan3A_49 = arith.addi %scan3A_47, %scan3A_48 : i32
    %scan3A_50 = arith.constant 1 : i32
    scf.for %scan3A_263 = %scan3A_47 to %scan3A_49 step %scan3A_50  : i32 {
      %mul3A_264 = arith.constant 128 : i32
      %mul3A_265 = arith.muli %scan3A_263, %mul3A_264 : i32
      %get3A_266 = arith.index_cast %mul3A_265 : i32 to index
      %get3A_267 = arith.constant 0 : index
      %get3A_268 = vector.load %arg2[%get3A_266, %get3A_267] : memref<8192x128xf32, #tpu.memory_space<vmem>>, vector<128x128xf32>
      %mul3A_269 = arith.mulf %get3A_268, %get3A_268 : vector<128x128xf32>
      %reduce_sum3A_270 = arith.constant dense<0.000000e+00> : vector<128xf32>
      %reduce_sum3A_271 = vector.multi_reduction <add>, %mul3A_269, %reduce_sum3A_270 [1] : vector<128x128xf32> to vector<128xf32>
      %convert_element_type3A_272 = arith.truncf %get3A_268 : vector<128x128xf32> to vector<128x128xbf16>
      %dot_general3A = arith.constant dense<0.000000e+00> : vector<256x128xf32>
      %dot_general3A_273 = tpu.matmul %convert_element_type3A, %convert_element_type3A_272, %dot_general3A {dimension_numbers = #tpu.dot_dimension_numbers<[1], [1], [0], [0], [0, 0, 1, 0], [], []>, transpose_lhs_hint = false} : vector<256x128xbf16>, vector<128x128xbf16>, vector<256x128xf32> -> vector<256x128xf32>
      %broadcast_in_dim3A_274 = vector.shape_cast %reduce_sum3A_271 : vector<128xf32> to vector<1x128xf32>
      %add3A = vector.broadcast %broadcast_in_dim3A : vector<256x1xf32> to vector<256x128xf32>
      %add3A_275 = vector.broadcast %broadcast_in_dim3A_274 : vector<1x128xf32> to vector<256x128xf32>
      %add3A_276 = arith.addf %add3A, %add3A_275 : vector<256x128xf32>
      %mul3A_277 = arith.constant 2.000000e+00 : f32
      %mul3A_278 = vector.broadcast %mul3A_277 : f32 to vector<256x128xf32>
      %mul3A_279 = arith.mulf %mul3A_278, %dot_general3A_273 : vector<256x128xf32>
      %sub3A = arith.subf %add3A_276, %mul3A_279 : vector<256x128xf32>
      %max3A = arith.constant 0.000000e+00 : f32
      %max3A_280 = vector.broadcast %max3A : f32 to vector<256x128xf32>
      %max3A_281 = arith.maximumf %sub3A, %max3A_280 : vector<256x128xf32>
      %sqrt3A = math.sqrt %max3A_281 : vector<256x128xf32>
      %mul3A_282 = arith.constant 128 : i32
      %mul3A_283 = arith.muli %scan3A_263, %mul3A_282 : i32
      %add3A_284 = vector.broadcast %mul3A_283 : i32 to vector<256x128xi32>
      %add3A_285 = arith.addi %iota3A, %add3A_284 : vector<256x128xi32>
      %ge3A = arith.constant 2000 : i32
      %ge3A_286 = vector.broadcast %ge3A : i32 to vector<256x128xi32>
      %ge3A_287 = arith.cmpi sge, %add3A_285, %ge3A_286 : vector<256x128xi32>
      %lt3A_288 = arith.constant 4000 : i32
      %lt3A_289 = vector.broadcast %lt3A_288 : i32 to vector<256x128xi32>
      %lt3A_290 = arith.cmpi slt, %add3A_285, %lt3A_289 : vector<256x128xi32>
      %and3A = arith.andi %ge3A_287, %lt3A_290 : vector<256x128xi1>
      %jit3A_291 = arith.constant 0x7F800000 : f32
      %broadcast_in_dim3A_292 = vector.broadcast %jit3A_291 : f32 to vector<256x128xf32>
      %select_n3A_293 = arith.select %and3A, %sqrt3A, %broadcast_in_dim3A_292 : vector<256x128xi1>, vector<256x128xf32>
      %get3A_294 = arith.constant 0 : index
      %get3A_295 = arith.constant 0 : index
      %get3A_296 = vector.load %arg6[%get3A_294, %get3A_295] : memref<256x128xf32, #tpu.memory_space<vmem>>, vector<256x128xf32>
      %lt3A_297 = arith.cmpf olt, %select_n3A_293, %get3A_296 : vector<256x128xf32>
      %get3A_298 = arith.constant 0 : index
      %get3A_299 = arith.constant 0 : index
      %get3A_300 = vector.load %arg7[%get3A_298, %get3A_299] : memref<256x128xi32, #tpu.memory_space<vmem>>, vector<256x128xi32>
      %select_n3A_301 = arith.select %lt3A_297, %add3A_285, %get3A_300 : vector<256x128xi1>, vector<256x128xi32>
      %swap3A_302 = arith.constant 0 : index
      %swap3A_303 = arith.constant 0 : index
      %swap3A_304 = vector.load %arg7[%swap3A_302, %swap3A_303] : memref<256x128xi32, #tpu.memory_space<vmem>>, vector<256x128xi32>
      tpu.vector_store %arg7[%swap3A_302, %swap3A_303], %select_n3A_301 {strides = array<i32>} : memref<256x128xi32, #tpu.memory_space<vmem>>, vector<256x128xi32>,
      %get3A_305 = arith.constant 0 : index
      %get3A_306 = arith.constant 0 : index
      %get3A_307 = vector.load %arg6[%get3A_305, %get3A_306] : memref<256x128xf32, #tpu.memory_space<vmem>>, vector<256x128xf32>
      %select_n3A_308 = arith.select %lt3A_297, %select_n3A_293, %get3A_307 : vector<256x128xi1>, vector<256x128xf32>
      %swap3A_309 = arith.constant 0 : index
      %swap3A_310 = arith.constant 0 : index
      %swap3A_311 = vector.load %arg6[%swap3A_309, %swap3A_310] : memref<256x128xf32, #tpu.memory_space<vmem>>, vector<256x128xf32>
      tpu.vector_store %arg6[%swap3A_309, %swap3A_310], %select_n3A_308 {strides = array<i32>} : memref<256x128xf32, #tpu.memory_space<vmem>>, vector<256x128xf32>,
    }
    %scan3A_51 = arith.constant 17 : i32
    %get3A_52 = arith.constant 0 : index
    %get3A_53 = arith.constant 0 : index
    %get3A_54 = vector.load %arg6[%get3A_52, %get3A_53] : memref<256x128xf32, #tpu.memory_space<vmem>>, vector<256x128xf32>
    %reduce_min3A_55 = arith.constant dense<0x7F800000> : vector<256xf32>
    %reduce_min3A_56 = vector.multi_reduction <minimumf>, %get3A_54, %reduce_min3A_55 [1] : vector<256x128xf32> to vector<256xf32>
    %broadcast_in_dim3A_57 = vector.shape_cast %reduce_min3A_56 : vector<256xf32> to vector<256x1xf32>
    %eq3A_58 = vector.broadcast %broadcast_in_dim3A_57 : vector<256x1xf32> to vector<256x128xf32>
    %eq3A_59 = arith.cmpf oeq, %get3A_54, %eq3A_58 : vector<256x128xf32>
    %get3A_60 = arith.constant 0 : index
    %get3A_61 = arith.constant 0 : index
    %get3A_62 = vector.load %arg7[%get3A_60, %get3A_61] : memref<256x128xi32, #tpu.memory_space<vmem>>, vector<256x128xi32>
    %jit3A_63 = arith.constant 1073741824 : i32
    %broadcast_in_dim3A_64 = vector.broadcast %jit3A_63 : i32 to vector<256x128xi32>
    %select_n3A_65 = arith.select %eq3A_59, %get3A_62, %broadcast_in_dim3A_64 : vector<256x128xi1>, vector<256x128xi32>
    %reduce_min3A_66 = arith.constant dense<2147483647> : vector<256xi32>
    %reduce_min3A_67 = vector.multi_reduction <minsi>, %select_n3A_65, %reduce_min3A_66 [1] : vector<256x128xi32> to vector<256xi32>
    %broadcast_in_dim3A_68 = vector.shape_cast %reduce_min3A_67 : vector<256xi32> to vector<256x1xi32>
    %lt3A_69 = arith.cmpf olt, %broadcast_in_dim3A_57, %convert_element_type3A_36 : vector<256x1xf32>
    %select_n3A_70 = arith.select %lt3A_69, %broadcast_in_dim3A_68, %select_n3A_33 : vector<256x1xi1>, vector<256x1xi32>
    %select_n3A_71 = arith.select %lt3A_69, %broadcast_in_dim3A_57, %convert_element_type3A_36 : vector<256x1xi1>, vector<256x1xf32>
    %convert_element_type3A_72 = arith.truncf %select_n3A_71 : vector<256x1xf32> to vector<256x1xbf16>
    %convert_element_type3A_73 = arith.extf %convert_element_type3A_72 : vector<256x1xbf16> to vector<256x1xf32>
    %broadcast_in_dim3A_74 = arith.constant 0x7F800000 : f32
    %broadcast_in_dim3A_75 = vector.broadcast %broadcast_in_dim3A_74 : f32 to vector<256x128xf32>
    %swap3A_76 = arith.constant 0 : index
    %swap3A_77 = arith.constant 0 : index
    %swap3A_78 = vector.load %arg6[%swap3A_76, %swap3A_77] : memref<256x128xf32, #tpu.memory_space<vmem>>, vector<256x128xf32>
    tpu.vector_store %arg6[%swap3A_76, %swap3A_77], %broadcast_in_dim3A_75 {strides = array<i32>} : memref<256x128xf32, #tpu.memory_space<vmem>>, vector<256x128xf32>,
    %broadcast_in_dim3A_79 = arith.constant 0 : i32
    %broadcast_in_dim3A_80 = vector.broadcast %broadcast_in_dim3A_79 : i32 to vector<256x128xi32>
    %swap3A_81 = arith.constant 0 : index
    %swap3A_82 = arith.constant 0 : index
    %swap3A_83 = vector.load %arg7[%swap3A_81, %swap3A_82] : memref<256x128xi32, #tpu.memory_space<vmem>>, vector<256x128xi32>
    tpu.vector_store %arg7[%swap3A_81, %swap3A_82], %broadcast_in_dim3A_80 {strides = array<i32>} : memref<256x128xi32, #tpu.memory_space<vmem>>, vector<256x128xi32>,
    %scan3A_84 = arith.constant 31 : i32
    %scan3A_85 = arith.constant 16 : i32
    %scan3A_86 = arith.addi %scan3A_84, %scan3A_85 : i32
    %scan3A_87 = arith.constant 1 : i32
    scf.for %scan3A_263 = %scan3A_84 to %scan3A_86 step %scan3A_87  : i32 {
      %mul3A_264 = arith.constant 128 : i32
      %mul3A_265 = arith.muli %scan3A_263, %mul3A_264 : i32
      %get3A_266 = arith.index_cast %mul3A_265 : i32 to index
      %get3A_267 = arith.constant 0 : index
      %get3A_268 = vector.load %arg2[%get3A_266, %get3A_267] : memref<8192x128xf32, #tpu.memory_space<vmem>>, vector<128x128xf32>
      %mul3A_269 = arith.mulf %get3A_268, %get3A_268 : vector<128x128xf32>
      %reduce_sum3A_270 = arith.constant dense<0.000000e+00> : vector<128xf32>
      %reduce_sum3A_271 = vector.multi_reduction <add>, %mul3A_269, %reduce_sum3A_270 [1] : vector<128x128xf32> to vector<128xf32>
      %convert_element_type3A_272 = arith.truncf %get3A_268 : vector<128x128xf32> to vector<128x128xbf16>
      %dot_general3A = arith.constant dense<0.000000e+00> : vector<256x128xf32>
      %dot_general3A_273 = tpu.matmul %convert_element_type3A, %convert_element_type3A_272, %dot_general3A {dimension_numbers = #tpu.dot_dimension_numbers<[1], [1], [0], [0], [0, 0, 1, 0], [], []>, transpose_lhs_hint = false} : vector<256x128xbf16>, vector<128x128xbf16>, vector<256x128xf32> -> vector<256x128xf32>
      %broadcast_in_dim3A_274 = vector.shape_cast %reduce_sum3A_271 : vector<128xf32> to vector<1x128xf32>
      %add3A = vector.broadcast %broadcast_in_dim3A : vector<256x1xf32> to vector<256x128xf32>
      %add3A_275 = vector.broadcast %broadcast_in_dim3A_274 : vector<1x128xf32> to vector<256x128xf32>
      %add3A_276 = arith.addf %add3A, %add3A_275 : vector<256x128xf32>
      %mul3A_277 = arith.constant 2.000000e+00 : f32
      %mul3A_278 = vector.broadcast %mul3A_277 : f32 to vector<256x128xf32>
      %mul3A_279 = arith.mulf %mul3A_278, %dot_general3A_273 : vector<256x128xf32>
      %sub3A = arith.subf %add3A_276, %mul3A_279 : vector<256x128xf32>
      %max3A = arith.constant 0.000000e+00 : f32
      %max3A_280 = vector.broadcast %max3A : f32 to vector<256x128xf32>
      %max3A_281 = arith.maximumf %sub3A, %max3A_280 : vector<256x128xf32>
      %sqrt3A = math.sqrt %max3A_281 : vector<256x128xf32>
      %mul3A_282 = arith.constant 128 : i32
      %mul3A_283 = arith.muli %scan3A_263, %mul3A_282 : i32
      %add3A_284 = vector.broadcast %mul3A_283 : i32 to vector<256x128xi32>
      %add3A_285 = arith.addi %iota3A, %add3A_284 : vector<256x128xi32>
      %ge3A = arith.constant 4000 : i32
      %ge3A_286 = vector.broadcast %ge3A : i32 to vector<256x128xi32>
      %ge3A_287 = arith.cmpi sge, %add3A_285, %ge3A_286 : vector<256x128xi32>
      %lt3A_288 = arith.constant 6000 : i32
      %lt3A_289 = vector.broadcast %lt3A_288 : i32 to vector<256x128xi32>
      %lt3A_290 = arith.cmpi slt, %add3A_285, %lt3A_289 : vector<256x128xi32>
      %and3A = arith.andi %ge3A_287, %lt3A_290 : vector<256x128xi1>
      %jit3A_291 = arith.constant 0x7F800000 : f32
      %broadcast_in_dim3A_292 = vector.broadcast %jit3A_291 : f32 to vector<256x128xf32>
      %select_n3A_293 = arith.select %and3A, %sqrt3A, %broadcast_in_dim3A_292 : vector<256x128xi1>, vector<256x128xf32>
      %get3A_294 = arith.constant 0 : index
      %get3A_295 = arith.constant 0 : index
      %get3A_296 = vector.load %arg6[%get3A_294, %get3A_295] : memref<256x128xf32, #tpu.memory_space<vmem>>, vector<256x128xf32>
      %lt3A_297 = arith.cmpf olt, %select_n3A_293, %get3A_296 : vector<256x128xf32>
      %get3A_298 = arith.constant 0 : index
      %get3A_299 = arith.constant 0 : index
      %get3A_300 = vector.load %arg7[%get3A_298, %get3A_299] : memref<256x128xi32, #tpu.memory_space<vmem>>, vector<256x128xi32>
      %select_n3A_301 = arith.select %lt3A_297, %add3A_285, %get3A_300 : vector<256x128xi1>, vector<256x128xi32>
      %swap3A_302 = arith.constant 0 : index
      %swap3A_303 = arith.constant 0 : index
      %swap3A_304 = vector.load %arg7[%swap3A_302, %swap3A_303] : memref<256x128xi32, #tpu.memory_space<vmem>>, vector<256x128xi32>
      tpu.vector_store %arg7[%swap3A_302, %swap3A_303], %select_n3A_301 {strides = array<i32>} : memref<256x128xi32, #tpu.memory_space<vmem>>, vector<256x128xi32>,
      %get3A_305 = arith.constant 0 : index
      %get3A_306 = arith.constant 0 : index
      %get3A_307 = vector.load %arg6[%get3A_305, %get3A_306] : memref<256x128xf32, #tpu.memory_space<vmem>>, vector<256x128xf32>
      %select_n3A_308 = arith.select %lt3A_297, %select_n3A_293, %get3A_307 : vector<256x128xi1>, vector<256x128xf32>
      %swap3A_309 = arith.constant 0 : index
      %swap3A_310 = arith.constant 0 : index
      %swap3A_311 = vector.load %arg6[%swap3A_309, %swap3A_310] : memref<256x128xf32, #tpu.memory_space<vmem>>, vector<256x128xf32>
      tpu.vector_store %arg6[%swap3A_309, %swap3A_310], %select_n3A_308 {strides = array<i32>} : memref<256x128xf32, #tpu.memory_space<vmem>>, vector<256x128xf32>,
    }
    %scan3A_88 = arith.constant 16 : i32
    %get3A_89 = arith.constant 0 : index
    %get3A_90 = arith.constant 0 : index
    %get3A_91 = vector.load %arg6[%get3A_89, %get3A_90] : memref<256x128xf32, #tpu.memory_space<vmem>>, vector<256x128xf32>
    %reduce_min3A_92 = arith.constant dense<0x7F800000> : vector<256xf32>
    %reduce_min3A_93 = vector.multi_reduction <minimumf>, %get3A_91, %reduce_min3A_92 [1] : vector<256x128xf32> to vector<256xf32>
    %broadcast_in_dim3A_94 = vector.shape_cast %reduce_min3A_93 : vector<256xf32> to vector<256x1xf32>
    %eq3A_95 = vector.broadcast %broadcast_in_dim3A_94 : vector<256x1xf32> to vector<256x128xf32>
    %eq3A_96 = arith.cmpf oeq, %get3A_91, %eq3A_95 : vector<256x128xf32>
    %get3A_97 = arith.constant 0 : index
    %get3A_98 = arith.constant 0 : index
    %get3A_99 = vector.load %arg7[%get3A_97, %get3A_98] : memref<256x128xi32, #tpu.memory_space<vmem>>, vector<256x128xi32>
    %jit3A_100 = arith.constant 1073741824 : i32
    %broadcast_in_dim3A_101 = vector.broadcast %jit3A_100 : i32 to vector<256x128xi32>
    %select_n3A_102 = arith.select %eq3A_96, %get3A_99, %broadcast_in_dim3A_101 : vector<256x128xi1>, vector<256x128xi32>
    %reduce_min3A_103 = arith.constant dense<2147483647> : vector<256xi32>
    %reduce_min3A_104 = vector.multi_reduction <minsi>, %select_n3A_102, %reduce_min3A_103 [1] : vector<256x128xi32> to vector<256xi32>
    %broadcast_in_dim3A_105 = vector.shape_cast %reduce_min3A_104 : vector<256xi32> to vector<256x1xi32>
    %lt3A_106 = arith.cmpf olt, %broadcast_in_dim3A_94, %convert_element_type3A_73 : vector<256x1xf32>
    %select_n3A_107 = arith.select %lt3A_106, %broadcast_in_dim3A_105, %select_n3A_70 : vector<256x1xi1>, vector<256x1xi32>
    %select_n3A_108 = arith.select %lt3A_106, %broadcast_in_dim3A_94, %convert_element_type3A_73 : vector<256x1xi1>, vector<256x1xf32>
    %convert_element_type3A_109 = arith.truncf %select_n3A_108 : vector<256x1xf32> to vector<256x1xbf16>
    %convert_element_type3A_110 = arith.extf %convert_element_type3A_109 : vector<256x1xbf16> to vector<256x1xf32>
    %broadcast_in_dim3A_111 = arith.constant 0x7F800000 : f32
    %broadcast_in_dim3A_112 = vector.broadcast %broadcast_in_dim3A_111 : f32 to vector<256x128xf32>
    %swap3A_113 = arith.constant 0 : index
    %swap3A_114 = arith.constant 0 : index
    %swap3A_115 = vector.load %arg6[%swap3A_113, %swap3A_114] : memref<256x128xf32, #tpu.memory_space<vmem>>, vector<256x128xf32>
    tpu.vector_store %arg6[%swap3A_113, %swap3A_114], %broadcast_in_dim3A_112 {strides = array<i32>} : memref<256x128xf32, #tpu.memory_space<vmem>>, vector<256x128xf32>,
    %broadcast_in_dim3A_116 = arith.constant 0 : i32
    %broadcast_in_dim3A_117 = vector.broadcast %broadcast_in_dim3A_116 : i32 to vector<256x128xi32>
    %swap3A_118 = arith.constant 0 : index
    %swap3A_119 = arith.constant 0 : index
    %swap3A_120 = vector.load %arg7[%swap3A_118, %swap3A_119] : memref<256x128xi32, #tpu.memory_space<vmem>>, vector<256x128xi32>
    tpu.vector_store %arg7[%swap3A_118, %swap3A_119], %broadcast_in_dim3A_117 {strides = array<i32>} : memref<256x128xi32, #tpu.memory_space<vmem>>, vector<256x128xi32>,
    %scan3A_121 = arith.constant 46 : i32
    %scan3A_122 = arith.constant 18 : i32
    %scan3A_123 = arith.addi %scan3A_121, %scan3A_122 : i32
    %scan3A_124 = arith.constant 1 : i32
    scf.for %scan3A_263 = %scan3A_121 to %scan3A_123 step %scan3A_124  : i32 {
      %mul3A_264 = arith.constant 128 : i32
      %mul3A_265 = arith.muli %scan3A_263, %mul3A_264 : i32
      %get3A_266 = arith.index_cast %mul3A_265 : i32 to index
      %get3A_267 = arith.constant 0 : index
      %get3A_268 = vector.load %arg2[%get3A_266, %get3A_267] : memref<8192x128xf32, #tpu.memory_space<vmem>>, vector<128x128xf32>
      %mul3A_269 = arith.mulf %get3A_268, %get3A_268 : vector<128x128xf32>
      %reduce_sum3A_270 = arith.constant dense<0.000000e+00> : vector<128xf32>
      %reduce_sum3A_271 = vector.multi_reduction <add>, %mul3A_269, %reduce_sum3A_270 [1] : vector<128x128xf32> to vector<128xf32>
      %convert_element_type3A_272 = arith.truncf %get3A_268 : vector<128x128xf32> to vector<128x128xbf16>
      %dot_general3A = arith.constant dense<0.000000e+00> : vector<256x128xf32>
      %dot_general3A_273 = tpu.matmul %convert_element_type3A, %convert_element_type3A_272, %dot_general3A {dimension_numbers = #tpu.dot_dimension_numbers<[1], [1], [0], [0], [0, 0, 1, 0], [], []>, transpose_lhs_hint = false} : vector<256x128xbf16>, vector<128x128xbf16>, vector<256x128xf32> -> vector<256x128xf32>
      %broadcast_in_dim3A_274 = vector.shape_cast %reduce_sum3A_271 : vector<128xf32> to vector<1x128xf32>
      %add3A = vector.broadcast %broadcast_in_dim3A : vector<256x1xf32> to vector<256x128xf32>
      %add3A_275 = vector.broadcast %broadcast_in_dim3A_274 : vector<1x128xf32> to vector<256x128xf32>
      %add3A_276 = arith.addf %add3A, %add3A_275 : vector<256x128xf32>
      %mul3A_277 = arith.constant 2.000000e+00 : f32
      %mul3A_278 = vector.broadcast %mul3A_277 : f32 to vector<256x128xf32>
      %mul3A_279 = arith.mulf %mul3A_278, %dot_general3A_273 : vector<256x128xf32>
      %sub3A = arith.subf %add3A_276, %mul3A_279 : vector<256x128xf32>
      %max3A = arith.constant 0.000000e+00 : f32
      %max3A_280 = vector.broadcast %max3A : f32 to vector<256x128xf32>
      %max3A_281 = arith.maximumf %sub3A, %max3A_280 : vector<256x128xf32>
      %sqrt3A = math.sqrt %max3A_281 : vector<256x128xf32>
      %mul3A_282 = arith.constant 128 : i32
      %mul3A_283 = arith.muli %scan3A_263, %mul3A_282 : i32
      %add3A_284 = vector.broadcast %mul3A_283 : i32 to vector<256x128xi32>
      %add3A_285 = arith.addi %iota3A, %add3A_284 : vector<256x128xi32>
      %ge3A = arith.constant 6000 : i32
      %ge3A_286 = vector.broadcast %ge3A : i32 to vector<256x128xi32>
      %ge3A_287 = arith.cmpi sge, %add3A_285, %ge3A_286 : vector<256x128xi32>
      %lt3A_288 = arith.constant 8192 : i32
      %lt3A_289 = vector.broadcast %lt3A_288 : i32 to vector<256x128xi32>
      %lt3A_290 = arith.cmpi slt, %add3A_285, %lt3A_289 : vector<256x128xi32>
      %and3A = arith.andi %ge3A_287, %lt3A_290 : vector<256x128xi1>
      %jit3A_291 = arith.constant 0x7F800000 : f32
      %broadcast_in_dim3A_292 = vector.broadcast %jit3A_291 : f32 to vector<256x128xf32>
      %select_n3A_293 = arith.select %and3A, %sqrt3A, %broadcast_in_dim3A_292 : vector<256x128xi1>, vector<256x128xf32>
      %get3A_294 = arith.constant 0 : index
      %get3A_295 = arith.constant 0 : index
      %get3A_296 = vector.load %arg6[%get3A_294, %get3A_295] : memref<256x128xf32, #tpu.memory_space<vmem>>, vector<256x128xf32>
      %lt3A_297 = arith.cmpf olt, %select_n3A_293, %get3A_296 : vector<256x128xf32>
      %get3A_298 = arith.constant 0 : index
      %get3A_299 = arith.constant 0 : index
      %get3A_300 = vector.load %arg7[%get3A_298, %get3A_299] : memref<256x128xi32, #tpu.memory_space<vmem>>, vector<256x128xi32>
      %select_n3A_301 = arith.select %lt3A_297, %add3A_285, %get3A_300 : vector<256x128xi1>, vector<256x128xi32>
      %swap3A_302 = arith.constant 0 : index
      %swap3A_303 = arith.constant 0 : index
      %swap3A_304 = vector.load %arg7[%swap3A_302, %swap3A_303] : memref<256x128xi32, #tpu.memory_space<vmem>>, vector<256x128xi32>
      tpu.vector_store %arg7[%swap3A_302, %swap3A_303], %select_n3A_301 {strides = array<i32>} : memref<256x128xi32, #tpu.memory_space<vmem>>, vector<256x128xi32>,
      %get3A_305 = arith.constant 0 : index
      %get3A_306 = arith.constant 0 : index
      %get3A_307 = vector.load %arg6[%get3A_305, %get3A_306] : memref<256x128xf32, #tpu.memory_space<vmem>>, vector<256x128xf32>
      %select_n3A_308 = arith.select %lt3A_297, %select_n3A_293, %get3A_307 : vector<256x128xi1>, vector<256x128xf32>
      %swap3A_309 = arith.constant 0 : index
      %swap3A_310 = arith.constant 0 : index
      %swap3A_311 = vector.load %arg6[%swap3A_309, %swap3A_310] : memref<256x128xf32, #tpu.memory_space<vmem>>, vector<256x128xf32>
      tpu.vector_store %arg6[%swap3A_309, %swap3A_310], %select_n3A_308 {strides = array<i32>} : memref<256x128xf32, #tpu.memory_space<vmem>>, vector<256x128xf32>,
    }
    %scan3A_125 = arith.constant 18 : i32
    %get3A_126 = arith.constant 0 : index
    %get3A_127 = arith.constant 0 : index
    %get3A_128 = vector.load %arg6[%get3A_126, %get3A_127] : memref<256x128xf32, #tpu.memory_space<vmem>>, vector<256x128xf32>
    %reduce_min3A_129 = arith.constant dense<0x7F800000> : vector<256xf32>
    %reduce_min3A_130 = vector.multi_reduction <minimumf>, %get3A_128, %reduce_min3A_129 [1] : vector<256x128xf32> to vector<256xf32>
    %broadcast_in_dim3A_131 = vector.shape_cast %reduce_min3A_130 : vector<256xf32> to vector<256x1xf32>
    %eq3A_132 = vector.broadcast %broadcast_in_dim3A_131 : vector<256x1xf32> to vector<256x128xf32>
    %eq3A_133 = arith.cmpf oeq, %get3A_128, %eq3A_132 : vector<256x128xf32>
    %get3A_134 = arith.constant 0 : index
    %get3A_135 = arith.constant 0 : index
    %get3A_136 = vector.load %arg7[%get3A_134, %get3A_135] : memref<256x128xi32, #tpu.memory_space<vmem>>, vector<256x128xi32>
    %jit3A_137 = arith.constant 1073741824 : i32
    %broadcast_in_dim3A_138 = vector.broadcast %jit3A_137 : i32 to vector<256x128xi32>
    %select_n3A_139 = arith.select %eq3A_133, %get3A_136, %broadcast_in_dim3A_138 : vector<256x128xi1>, vector<256x128xi32>
    %reduce_min3A_140 = arith.constant dense<2147483647> : vector<256xi32>
    %reduce_min3A_141 = vector.multi_reduction <minsi>, %select_n3A_139, %reduce_min3A_140 [1] : vector<256x128xi32> to vector<256xi32>
    %broadcast_in_dim3A_142 = vector.shape_cast %reduce_min3A_141 : vector<256xi32> to vector<256x1xi32>
    %lt3A_143 = arith.cmpf olt, %broadcast_in_dim3A_131, %convert_element_type3A_110 : vector<256x1xf32>
    %select_n3A_144 = arith.select %lt3A_143, %broadcast_in_dim3A_142, %select_n3A_107 : vector<256x1xi1>, vector<256x1xi32>
    %swap3A_145 = arith.constant 0 : index
    %swap3A_146 = arith.constant 0 : index
    %swap3A_147 = vector.load %arg4[%swap3A_145, %swap3A_146] : memref<256x1xi32, #tpu.memory_space<vmem>>, vector<256x1xi32>
    tpu.vector_store %arg4[%swap3A_145, %swap3A_146], %select_n3A_144 {strides = array<i32>} : memref<256x1xi32, #tpu.memory_space<vmem>>, vector<256x1xi32>,
    %broadcast_in_dim3A_148 = arith.constant 0x7F800000 : f32
    %broadcast_in_dim3A_149 = vector.broadcast %broadcast_in_dim3A_148 : f32 to vector<256x1xf32>
    %broadcast_in_dim3A_150 = arith.constant 0 : i32
    %broadcast_in_dim3A_151 = vector.broadcast %broadcast_in_dim3A_150 : i32 to vector<256x1xi32>
    %broadcast_in_dim3A_152 = arith.constant 0x7F800000 : f32
    %broadcast_in_dim3A_153 = vector.broadcast %broadcast_in_dim3A_152 : f32 to vector<256x128xf32>
    %swap3A_154 = arith.constant 0 : index
    %swap3A_155 = arith.constant 0 : index
    %swap3A_156 = vector.load %arg6[%swap3A_154, %swap3A_155] : memref<256x128xf32, #tpu.memory_space<vmem>>, vector<256x128xf32>
    tpu.vector_store %arg6[%swap3A_154, %swap3A_155], %broadcast_in_dim3A_153 {strides = array<i32>} : memref<256x128xf32, #tpu.memory_space<vmem>>, vector<256x128xf32>,
    %broadcast_in_dim3A_157 = arith.constant 0 : i32
    %broadcast_in_dim3A_158 = vector.broadcast %broadcast_in_dim3A_157 : i32 to vector<256x128xi32>
    %swap3A_159 = arith.constant 0 : index
    %swap3A_160 = arith.constant 0 : index
    %swap3A_161 = vector.load %arg7[%swap3A_159, %swap3A_160] : memref<256x128xi32, #tpu.memory_space<vmem>>, vector<256x128xi32>
    tpu.vector_store %arg7[%swap3A_159, %swap3A_160], %broadcast_in_dim3A_158 {strides = array<i32>} : memref<256x128xi32, #tpu.memory_space<vmem>>, vector<256x128xi32>,
    %scan3A_162 = arith.constant 0 : i32
    %scan3A_163 = arith.constant 42 : i32
    %scan3A_164 = arith.addi %scan3A_162, %scan3A_163 : i32
    %scan3A_165 = arith.constant 1 : i32
    scf.for %scan3A_263 = %scan3A_162 to %scan3A_164 step %scan3A_165  : i32 {
      %mul3A_264 = arith.constant 128 : i32
      %mul3A_265 = arith.muli %scan3A_263, %mul3A_264 : i32
      %get3A_266 = arith.index_cast %mul3A_265 : i32 to index
      %get3A_267 = arith.constant 0 : index
      %get3A_268 = vector.load %arg3[%get3A_266, %get3A_267] : memref<16384x128xf32, #tpu.memory_space<vmem>>, vector<128x128xf32>
      %mul3A_269 = arith.mulf %get3A_268, %get3A_268 : vector<128x128xf32>
      %reduce_sum3A_270 = arith.constant dense<0.000000e+00> : vector<128xf32>
      %reduce_sum3A_271 = vector.multi_reduction <add>, %mul3A_269, %reduce_sum3A_270 [1] : vector<128x128xf32> to vector<128xf32>
      %convert_element_type3A_272 = arith.truncf %get3A_268 : vector<128x128xf32> to vector<128x128xbf16>
      %dot_general3A = arith.constant dense<0.000000e+00> : vector<256x128xf32>
      %dot_general3A_273 = tpu.matmul %convert_element_type3A, %convert_element_type3A_272, %dot_general3A {dimension_numbers = #tpu.dot_dimension_numbers<[1], [1], [0], [0], [0, 0, 1, 0], [], []>, transpose_lhs_hint = false} : vector<256x128xbf16>, vector<128x128xbf16>, vector<256x128xf32> -> vector<256x128xf32>
      %broadcast_in_dim3A_274 = vector.shape_cast %reduce_sum3A_271 : vector<128xf32> to vector<1x128xf32>
      %add3A = vector.broadcast %broadcast_in_dim3A : vector<256x1xf32> to vector<256x128xf32>
      %add3A_275 = vector.broadcast %broadcast_in_dim3A_274 : vector<1x128xf32> to vector<256x128xf32>
      %add3A_276 = arith.addf %add3A, %add3A_275 : vector<256x128xf32>
      %mul3A_277 = arith.constant 2.000000e+00 : f32
      %mul3A_278 = vector.broadcast %mul3A_277 : f32 to vector<256x128xf32>
      %mul3A_279 = arith.mulf %mul3A_278, %dot_general3A_273 : vector<256x128xf32>
      %sub3A = arith.subf %add3A_276, %mul3A_279 : vector<256x128xf32>
      %max3A = arith.constant 0.000000e+00 : f32
      %max3A_280 = vector.broadcast %max3A : f32 to vector<256x128xf32>
      %max3A_281 = arith.maximumf %sub3A, %max3A_280 : vector<256x128xf32>
      %sqrt3A = math.sqrt %max3A_281 : vector<256x128xf32>
      %mul3A_282 = arith.constant 128 : i32
      %mul3A_283 = arith.muli %scan3A_263, %mul3A_282 : i32
      %add3A_284 = vector.broadcast %mul3A_283 : i32 to vector<256x128xi32>
      %add3A_285 = arith.addi %iota3A, %add3A_284 : vector<256x128xi32>
      %ge3A = arith.constant 0 : i32
      %ge3A_286 = vector.broadcast %ge3A : i32 to vector<256x128xi32>
      %ge3A_287 = arith.cmpi sge, %add3A_285, %ge3A_286 : vector<256x128xi32>
      %lt3A_288 = arith.constant 5376 : i32
      %lt3A_289 = vector.broadcast %lt3A_288 : i32 to vector<256x128xi32>
      %lt3A_290 = arith.cmpi slt, %add3A_285, %lt3A_289 : vector<256x128xi32>
      %and3A = arith.andi %ge3A_287, %lt3A_290 : vector<256x128xi1>
      %jit3A_291 = arith.constant 0x7F800000 : f32
      %broadcast_in_dim3A_292 = vector.broadcast %jit3A_291 : f32 to vector<256x128xf32>
      %select_n3A_293 = arith.select %and3A, %sqrt3A, %broadcast_in_dim3A_292 : vector<256x128xi1>, vector<256x128xf32>
      %get3A_294 = arith.constant 0 : index
      %get3A_295 = arith.constant 0 : index
      %get3A_296 = vector.load %arg6[%get3A_294, %get3A_295] : memref<256x128xf32, #tpu.memory_space<vmem>>, vector<256x128xf32>
      %lt3A_297 = arith.cmpf olt, %select_n3A_293, %get3A_296 : vector<256x128xf32>
      %get3A_298 = arith.constant 0 : index
      %get3A_299 = arith.constant 0 : index
      %get3A_300 = vector.load %arg7[%get3A_298, %get3A_299] : memref<256x128xi32, #tpu.memory_space<vmem>>, vector<256x128xi32>
      %select_n3A_301 = arith.select %lt3A_297, %add3A_285, %get3A_300 : vector<256x128xi1>, vector<256x128xi32>
      %swap3A_302 = arith.constant 0 : index
      %swap3A_303 = arith.constant 0 : index
      %swap3A_304 = vector.load %arg7[%swap3A_302, %swap3A_303] : memref<256x128xi32, #tpu.memory_space<vmem>>, vector<256x128xi32>
      tpu.vector_store %arg7[%swap3A_302, %swap3A_303], %select_n3A_301 {strides = array<i32>} : memref<256x128xi32, #tpu.memory_space<vmem>>, vector<256x128xi32>,
      %get3A_305 = arith.constant 0 : index
      %get3A_306 = arith.constant 0 : index
      %get3A_307 = vector.load %arg6[%get3A_305, %get3A_306] : memref<256x128xf32, #tpu.memory_space<vmem>>, vector<256x128xf32>
      %select_n3A_308 = arith.select %lt3A_297, %select_n3A_293, %get3A_307 : vector<256x128xi1>, vector<256x128xf32>
      %swap3A_309 = arith.constant 0 : index
      %swap3A_310 = arith.constant 0 : index
      %swap3A_311 = vector.load %arg6[%swap3A_309, %swap3A_310] : memref<256x128xf32, #tpu.memory_space<vmem>>, vector<256x128xf32>
      tpu.vector_store %arg6[%swap3A_309, %swap3A_310], %select_n3A_308 {strides = array<i32>} : memref<256x128xf32, #tpu.memory_space<vmem>>, vector<256x128xf32>,
    }
    %scan3A_166 = arith.constant 42 : i32
    %get3A_167 = arith.constant 0 : index
    %get3A_168 = arith.constant 0 : index
    %get3A_169 = vector.load %arg6[%get3A_167, %get3A_168] : memref<256x128xf32, #tpu.memory_space<vmem>>, vector<256x128xf32>
    %reduce_min3A_170 = arith.constant dense<0x7F800000> : vector<256xf32>
    %reduce_min3A_171 = vector.multi_reduction <minimumf>, %get3A_169, %reduce_min3A_170 [1] : vector<256x128xf32> to vector<256xf32>
    %broadcast_in_dim3A_172 = vector.shape_cast %reduce_min3A_171 : vector<256xf32> to vector<256x1xf32>
    %eq3A_173 = vector.broadcast %broadcast_in_dim3A_172 : vector<256x1xf32> to vector<256x128xf32>
    %eq3A_174 = arith.cmpf oeq, %get3A_169, %eq3A_173 : vector<256x128xf32>
    %get3A_175 = arith.constant 0 : index
    %get3A_176 = arith.constant 0 : index
    %get3A_177 = vector.load %arg7[%get3A_175, %get3A_176] : memref<256x128xi32, #tpu.memory_space<vmem>>, vector<256x128xi32>
    %jit3A_178 = arith.constant 1073741824 : i32
    %broadcast_in_dim3A_179 = vector.broadcast %jit3A_178 : i32 to vector<256x128xi32>
    %select_n3A_180 = arith.select %eq3A_174, %get3A_177, %broadcast_in_dim3A_179 : vector<256x128xi1>, vector<256x128xi32>
    %reduce_min3A_181 = arith.constant dense<2147483647> : vector<256xi32>
    %reduce_min3A_182 = vector.multi_reduction <minsi>, %select_n3A_180, %reduce_min3A_181 [1] : vector<256x128xi32> to vector<256xi32>
    %broadcast_in_dim3A_183 = vector.shape_cast %reduce_min3A_182 : vector<256xi32> to vector<256x1xi32>
    %lt3A_184 = arith.cmpf olt, %broadcast_in_dim3A_172, %broadcast_in_dim3A_149 : vector<256x1xf32>
    %select_n3A_185 = arith.select %lt3A_184, %broadcast_in_dim3A_183, %broadcast_in_dim3A_151 : vector<256x1xi1>, vector<256x1xi32>
    %select_n3A_186 = arith.select %lt3A_184, %broadcast_in_dim3A_172, %broadcast_in_dim3A_149 : vector<256x1xi1>, vector<256x1xf32>
    %convert_element_type3A_187 = arith.truncf %select_n3A_186 : vector<256x1xf32> to vector<256x1xbf16>
    %convert_element_type3A_188 = arith.extf %convert_element_type3A_187 : vector<256x1xbf16> to vector<256x1xf32>
    %broadcast_in_dim3A_189 = arith.constant 0x7F800000 : f32
    %broadcast_in_dim3A_190 = vector.broadcast %broadcast_in_dim3A_189 : f32 to vector<256x128xf32>
    %swap3A_191 = arith.constant 0 : index
    %swap3A_192 = arith.constant 0 : index
    %swap3A_193 = vector.load %arg6[%swap3A_191, %swap3A_192] : memref<256x128xf32, #tpu.memory_space<vmem>>, vector<256x128xf32>
    tpu.vector_store %arg6[%swap3A_191, %swap3A_192], %broadcast_in_dim3A_190 {strides = array<i32>} : memref<256x128xf32, #tpu.memory_space<vmem>>, vector<256x128xf32>,
    %broadcast_in_dim3A_194 = arith.constant 0 : i32
    %broadcast_in_dim3A_195 = vector.broadcast %broadcast_in_dim3A_194 : i32 to vector<256x128xi32>
    %swap3A_196 = arith.constant 0 : index
    %swap3A_197 = arith.constant 0 : index
    %swap3A_198 = vector.load %arg7[%swap3A_196, %swap3A_197] : memref<256x128xi32, #tpu.memory_space<vmem>>, vector<256x128xi32>
    tpu.vector_store %arg7[%swap3A_196, %swap3A_197], %broadcast_in_dim3A_195 {strides = array<i32>} : memref<256x128xi32, #tpu.memory_space<vmem>>, vector<256x128xi32>,
    %scan3A_199 = arith.constant 42 : i32
    %scan3A_200 = arith.constant 42 : i32
    %scan3A_201 = arith.addi %scan3A_199, %scan3A_200 : i32
    %scan3A_202 = arith.constant 1 : i32
    scf.for %scan3A_263 = %scan3A_199 to %scan3A_201 step %scan3A_202  : i32 {
      %mul3A_264 = arith.constant 128 : i32
      %mul3A_265 = arith.muli %scan3A_263, %mul3A_264 : i32
      %get3A_266 = arith.index_cast %mul3A_265 : i32 to index
      %get3A_267 = arith.constant 0 : index
      %get3A_268 = vector.load %arg3[%get3A_266, %get3A_267] : memref<16384x128xf32, #tpu.memory_space<vmem>>, vector<128x128xf32>
      %mul3A_269 = arith.mulf %get3A_268, %get3A_268 : vector<128x128xf32>
      %reduce_sum3A_270 = arith.constant dense<0.000000e+00> : vector<128xf32>
      %reduce_sum3A_271 = vector.multi_reduction <add>, %mul3A_269, %reduce_sum3A_270 [1] : vector<128x128xf32> to vector<128xf32>
      %convert_element_type3A_272 = arith.truncf %get3A_268 : vector<128x128xf32> to vector<128x128xbf16>
      %dot_general3A = arith.constant dense<0.000000e+00> : vector<256x128xf32>
      %dot_general3A_273 = tpu.matmul %convert_element_type3A, %convert_element_type3A_272, %dot_general3A {dimension_numbers = #tpu.dot_dimension_numbers<[1], [1], [0], [0], [0, 0, 1, 0], [], []>, transpose_lhs_hint = false} : vector<256x128xbf16>, vector<128x128xbf16>, vector<256x128xf32> -> vector<256x128xf32>
      %broadcast_in_dim3A_274 = vector.shape_cast %reduce_sum3A_271 : vector<128xf32> to vector<1x128xf32>
      %add3A = vector.broadcast %broadcast_in_dim3A : vector<256x1xf32> to vector<256x128xf32>
      %add3A_275 = vector.broadcast %broadcast_in_dim3A_274 : vector<1x128xf32> to vector<256x128xf32>
      %add3A_276 = arith.addf %add3A, %add3A_275 : vector<256x128xf32>
      %mul3A_277 = arith.constant 2.000000e+00 : f32
      %mul3A_278 = vector.broadcast %mul3A_277 : f32 to vector<256x128xf32>
      %mul3A_279 = arith.mulf %mul3A_278, %dot_general3A_273 : vector<256x128xf32>
      %sub3A = arith.subf %add3A_276, %mul3A_279 : vector<256x128xf32>
      %max3A = arith.constant 0.000000e+00 : f32
      %max3A_280 = vector.broadcast %max3A : f32 to vector<256x128xf32>
      %max3A_281 = arith.maximumf %sub3A, %max3A_280 : vector<256x128xf32>
      %sqrt3A = math.sqrt %max3A_281 : vector<256x128xf32>
      %mul3A_282 = arith.constant 128 : i32
      %mul3A_283 = arith.muli %scan3A_263, %mul3A_282 : i32
      %add3A_284 = vector.broadcast %mul3A_283 : i32 to vector<256x128xi32>
      %add3A_285 = arith.addi %iota3A, %add3A_284 : vector<256x128xi32>
      %ge3A = arith.constant 5376 : i32
      %ge3A_286 = vector.broadcast %ge3A : i32 to vector<256x128xi32>
      %ge3A_287 = arith.cmpi sge, %add3A_285, %ge3A_286 : vector<256x128xi32>
      %lt3A_288 = arith.constant 10752 : i32
      %lt3A_289 = vector.broadcast %lt3A_288 : i32 to vector<256x128xi32>
      %lt3A_290 = arith.cmpi slt, %add3A_285, %lt3A_289 : vector<256x128xi32>
      %and3A = arith.andi %ge3A_287, %lt3A_290 : vector<256x128xi1>
      %jit3A_291 = arith.constant 0x7F800000 : f32
      %broadcast_in_dim3A_292 = vector.broadcast %jit3A_291 : f32 to vector<256x128xf32>
      %select_n3A_293 = arith.select %and3A, %sqrt3A, %broadcast_in_dim3A_292 : vector<256x128xi1>, vector<256x128xf32>
      %get3A_294 = arith.constant 0 : index
      %get3A_295 = arith.constant 0 : index
      %get3A_296 = vector.load %arg6[%get3A_294, %get3A_295] : memref<256x128xf32, #tpu.memory_space<vmem>>, vector<256x128xf32>
      %lt3A_297 = arith.cmpf olt, %select_n3A_293, %get3A_296 : vector<256x128xf32>
      %get3A_298 = arith.constant 0 : index
      %get3A_299 = arith.constant 0 : index
      %get3A_300 = vector.load %arg7[%get3A_298, %get3A_299] : memref<256x128xi32, #tpu.memory_space<vmem>>, vector<256x128xi32>
      %select_n3A_301 = arith.select %lt3A_297, %add3A_285, %get3A_300 : vector<256x128xi1>, vector<256x128xi32>
      %swap3A_302 = arith.constant 0 : index
      %swap3A_303 = arith.constant 0 : index
      %swap3A_304 = vector.load %arg7[%swap3A_302, %swap3A_303] : memref<256x128xi32, #tpu.memory_space<vmem>>, vector<256x128xi32>
      tpu.vector_store %arg7[%swap3A_302, %swap3A_303], %select_n3A_301 {strides = array<i32>} : memref<256x128xi32, #tpu.memory_space<vmem>>, vector<256x128xi32>,
      %get3A_305 = arith.constant 0 : index
      %get3A_306 = arith.constant 0 : index
      %get3A_307 = vector.load %arg6[%get3A_305, %get3A_306] : memref<256x128xf32, #tpu.memory_space<vmem>>, vector<256x128xf32>
      %select_n3A_308 = arith.select %lt3A_297, %select_n3A_293, %get3A_307 : vector<256x128xi1>, vector<256x128xf32>
      %swap3A_309 = arith.constant 0 : index
      %swap3A_310 = arith.constant 0 : index
      %swap3A_311 = vector.load %arg6[%swap3A_309, %swap3A_310] : memref<256x128xf32, #tpu.memory_space<vmem>>, vector<256x128xf32>
      tpu.vector_store %arg6[%swap3A_309, %swap3A_310], %select_n3A_308 {strides = array<i32>} : memref<256x128xf32, #tpu.memory_space<vmem>>, vector<256x128xf32>,
    }
    %scan3A_203 = arith.constant 42 : i32
    %get3A_204 = arith.constant 0 : index
    %get3A_205 = arith.constant 0 : index
    %get3A_206 = vector.load %arg6[%get3A_204, %get3A_205] : memref<256x128xf32, #tpu.memory_space<vmem>>, vector<256x128xf32>
    %reduce_min3A_207 = arith.constant dense<0x7F800000> : vector<256xf32>
    %reduce_min3A_208 = vector.multi_reduction <minimumf>, %get3A_206, %reduce_min3A_207 [1] : vector<256x128xf32> to vector<256xf32>
    %broadcast_in_dim3A_209 = vector.shape_cast %reduce_min3A_208 : vector<256xf32> to vector<256x1xf32>
    %eq3A_210 = vector.broadcast %broadcast_in_dim3A_209 : vector<256x1xf32> to vector<256x128xf32>
    %eq3A_211 = arith.cmpf oeq, %get3A_206, %eq3A_210 : vector<256x128xf32>
    %get3A_212 = arith.constant 0 : index
    %get3A_213 = arith.constant 0 : index
    %get3A_214 = vector.load %arg7[%get3A_212, %get3A_213] : memref<256x128xi32, #tpu.memory_space<vmem>>, vector<256x128xi32>
    %jit3A_215 = arith.constant 1073741824 : i32
    %broadcast_in_dim3A_216 = vector.broadcast %jit3A_215 : i32 to vector<256x128xi32>
    %select_n3A_217 = arith.select %eq3A_211, %get3A_214, %broadcast_in_dim3A_216 : vector<256x128xi1>, vector<256x128xi32>
    %reduce_min3A_218 = arith.constant dense<2147483647> : vector<256xi32>
    %reduce_min3A_219 = vector.multi_reduction <minsi>, %select_n3A_217, %reduce_min3A_218 [1] : vector<256x128xi32> to vector<256xi32>
    %broadcast_in_dim3A_220 = vector.shape_cast %reduce_min3A_219 : vector<256xi32> to vector<256x1xi32>
    %lt3A_221 = arith.cmpf olt, %broadcast_in_dim3A_209, %convert_element_type3A_188 : vector<256x1xf32>
    %select_n3A_222 = arith.select %lt3A_221, %broadcast_in_dim3A_220, %select_n3A_185 : vector<256x1xi1>, vector<256x1xi32>
    %select_n3A_223 = arith.select %lt3A_221, %broadcast_in_dim3A_209, %convert_element_type3A_188 : vector<256x1xi1>, vector<256x1xf32>
    %convert_element_type3A_224 = arith.truncf %select_n3A_223 : vector<256x1xf32> to vector<256x1xbf16>
    %convert_element_type3A_225 = arith.extf %convert_element_type3A_224 : vector<256x1xbf16> to vector<256x1xf32>
    %broadcast_in_dim3A_226 = arith.constant 0x7F800000 : f32
    %broadcast_in_dim3A_227 = vector.broadcast %broadcast_in_dim3A_226 : f32 to vector<256x128xf32>
    %swap3A_228 = arith.constant 0 : index
    %swap3A_229 = arith.constant 0 : index
    %swap3A_230 = vector.load %arg6[%swap3A_228, %swap3A_229] : memref<256x128xf32, #tpu.memory_space<vmem>>, vector<256x128xf32>
    tpu.vector_store %arg6[%swap3A_228, %swap3A_229], %broadcast_in_dim3A_227 {strides = array<i32>} : memref<256x128xf32, #tpu.memory_space<vmem>>, vector<256x128xf32>,
    %broadcast_in_dim3A_231 = arith.constant 0 : i32
    %broadcast_in_dim3A_232 = vector.broadcast %broadcast_in_dim3A_231 : i32 to vector<256x128xi32>
    %swap3A_233 = arith.constant 0 : index
    %swap3A_234 = arith.constant 0 : index
    %swap3A_235 = vector.load %arg7[%swap3A_233, %swap3A_234] : memref<256x128xi32, #tpu.memory_space<vmem>>, vector<256x128xi32>
    tpu.vector_store %arg7[%swap3A_233, %swap3A_234], %broadcast_in_dim3A_232 {strides = array<i32>} : memref<256x128xi32, #tpu.memory_space<vmem>>, vector<256x128xi32>,
    %scan3A_236 = arith.constant 84 : i32
    %scan3A_237 = arith.constant 44 : i32
    %scan3A_238 = arith.addi %scan3A_236, %scan3A_237 : i32
    %scan3A_239 = arith.constant 1 : i32
    scf.for %scan3A_263 = %scan3A_236 to %scan3A_238 step %scan3A_239  : i32 {
      %mul3A_264 = arith.constant 128 : i32
      %mul3A_265 = arith.muli %scan3A_263, %mul3A_264 : i32
      %get3A_266 = arith.index_cast %mul3A_265 : i32 to index
      %get3A_267 = arith.constant 0 : index
      %get3A_268 = vector.load %arg3[%get3A_266, %get3A_267] : memref<16384x128xf32, #tpu.memory_space<vmem>>, vector<128x128xf32>
      %mul3A_269 = arith.mulf %get3A_268, %get3A_268 : vector<128x128xf32>
      %reduce_sum3A_270 = arith.constant dense<0.000000e+00> : vector<128xf32>
      %reduce_sum3A_271 = vector.multi_reduction <add>, %mul3A_269, %reduce_sum3A_270 [1] : vector<128x128xf32> to vector<128xf32>
      %convert_element_type3A_272 = arith.truncf %get3A_268 : vector<128x128xf32> to vector<128x128xbf16>
      %dot_general3A = arith.constant dense<0.000000e+00> : vector<256x128xf32>
      %dot_general3A_273 = tpu.matmul %convert_element_type3A, %convert_element_type3A_272, %dot_general3A {dimension_numbers = #tpu.dot_dimension_numbers<[1], [1], [0], [0], [0, 0, 1, 0], [], []>, transpose_lhs_hint = false} : vector<256x128xbf16>, vector<128x128xbf16>, vector<256x128xf32> -> vector<256x128xf32>
      %broadcast_in_dim3A_274 = vector.shape_cast %reduce_sum3A_271 : vector<128xf32> to vector<1x128xf32>
      %add3A = vector.broadcast %broadcast_in_dim3A : vector<256x1xf32> to vector<256x128xf32>
      %add3A_275 = vector.broadcast %broadcast_in_dim3A_274 : vector<1x128xf32> to vector<256x128xf32>
      %add3A_276 = arith.addf %add3A, %add3A_275 : vector<256x128xf32>
      %mul3A_277 = arith.constant 2.000000e+00 : f32
      %mul3A_278 = vector.broadcast %mul3A_277 : f32 to vector<256x128xf32>
      %mul3A_279 = arith.mulf %mul3A_278, %dot_general3A_273 : vector<256x128xf32>
      %sub3A = arith.subf %add3A_276, %mul3A_279 : vector<256x128xf32>
      %max3A = arith.constant 0.000000e+00 : f32
      %max3A_280 = vector.broadcast %max3A : f32 to vector<256x128xf32>
      %max3A_281 = arith.maximumf %sub3A, %max3A_280 : vector<256x128xf32>
      %sqrt3A = math.sqrt %max3A_281 : vector<256x128xf32>
      %mul3A_282 = arith.constant 128 : i32
      %mul3A_283 = arith.muli %scan3A_263, %mul3A_282 : i32
      %add3A_284 = vector.broadcast %mul3A_283 : i32 to vector<256x128xi32>
      %add3A_285 = arith.addi %iota3A, %add3A_284 : vector<256x128xi32>
      %ge3A = arith.constant 10752 : i32
      %ge3A_286 = vector.broadcast %ge3A : i32 to vector<256x128xi32>
      %ge3A_287 = arith.cmpi sge, %add3A_285, %ge3A_286 : vector<256x128xi32>
      %lt3A_288 = arith.constant 16384 : i32
      %lt3A_289 = vector.broadcast %lt3A_288 : i32 to vector<256x128xi32>
      %lt3A_290 = arith.cmpi slt, %add3A_285, %lt3A_289 : vector<256x128xi32>
      %and3A = arith.andi %ge3A_287, %lt3A_290 : vector<256x128xi1>
      %jit3A_291 = arith.constant 0x7F800000 : f32
      %broadcast_in_dim3A_292 = vector.broadcast %jit3A_291 : f32 to vector<256x128xf32>
      %select_n3A_293 = arith.select %and3A, %sqrt3A, %broadcast_in_dim3A_292 : vector<256x128xi1>, vector<256x128xf32>
      %get3A_294 = arith.constant 0 : index
      %get3A_295 = arith.constant 0 : index
      %get3A_296 = vector.load %arg6[%get3A_294, %get3A_295] : memref<256x128xf32, #tpu.memory_space<vmem>>, vector<256x128xf32>
      %lt3A_297 = arith.cmpf olt, %select_n3A_293, %get3A_296 : vector<256x128xf32>
      %get3A_298 = arith.constant 0 : index
      %get3A_299 = arith.constant 0 : index
      %get3A_300 = vector.load %arg7[%get3A_298, %get3A_299] : memref<256x128xi32, #tpu.memory_space<vmem>>, vector<256x128xi32>
      %select_n3A_301 = arith.select %lt3A_297, %add3A_285, %get3A_300 : vector<256x128xi1>, vector<256x128xi32>
      %swap3A_302 = arith.constant 0 : index
      %swap3A_303 = arith.constant 0 : index
      %swap3A_304 = vector.load %arg7[%swap3A_302, %swap3A_303] : memref<256x128xi32, #tpu.memory_space<vmem>>, vector<256x128xi32>
      tpu.vector_store %arg7[%swap3A_302, %swap3A_303], %select_n3A_301 {strides = array<i32>} : memref<256x128xi32, #tpu.memory_space<vmem>>, vector<256x128xi32>,
      %get3A_305 = arith.constant 0 : index
      %get3A_306 = arith.constant 0 : index
      %get3A_307 = vector.load %arg6[%get3A_305, %get3A_306] : memref<256x128xf32, #tpu.memory_space<vmem>>, vector<256x128xf32>
      %select_n3A_308 = arith.select %lt3A_297, %select_n3A_293, %get3A_307 : vector<256x128xi1>, vector<256x128xf32>
      %swap3A_309 = arith.constant 0 : index
      %swap3A_310 = arith.constant 0 : index
      %swap3A_311 = vector.load %arg6[%swap3A_309, %swap3A_310] : memref<256x128xf32, #tpu.memory_space<vmem>>, vector<256x128xf32>
      tpu.vector_store %arg6[%swap3A_309, %swap3A_310], %select_n3A_308 {strides = array<i32>} : memref<256x128xf32, #tpu.memory_space<vmem>>, vector<256x128xf32>,
    }
    %scan3A_240 = arith.constant 44 : i32
    %get3A_241 = arith.constant 0 : index
    %get3A_242 = arith.constant 0 : index
    %get3A_243 = vector.load %arg6[%get3A_241, %get3A_242] : memref<256x128xf32, #tpu.memory_space<vmem>>, vector<256x128xf32>
    %reduce_min3A_244 = arith.constant dense<0x7F800000> : vector<256xf32>
    %reduce_min3A_245 = vector.multi_reduction <minimumf>, %get3A_243, %reduce_min3A_244 [1] : vector<256x128xf32> to vector<256xf32>
    %broadcast_in_dim3A_246 = vector.shape_cast %reduce_min3A_245 : vector<256xf32> to vector<256x1xf32>
    %eq3A_247 = vector.broadcast %broadcast_in_dim3A_246 : vector<256x1xf32> to vector<256x128xf32>
    %eq3A_248 = arith.cmpf oeq, %get3A_243, %eq3A_247 : vector<256x128xf32>
    %get3A_249 = arith.constant 0 : index
    %get3A_250 = arith.constant 0 : index
    %get3A_251 = vector.load %arg7[%get3A_249, %get3A_250] : memref<256x128xi32, #tpu.memory_space<vmem>>, vector<256x128xi32>
    %jit3A_252 = arith.constant 1073741824 : i32
    %broadcast_in_dim3A_253 = vector.broadcast %jit3A_252 : i32 to vector<256x128xi32>
    %select_n3A_254 = arith.select %eq3A_248, %get3A_251, %broadcast_in_dim3A_253 : vector<256x128xi1>, vector<256x128xi32>
    %reduce_min3A_255 = arith.constant dense<2147483647> : vector<256xi32>
    %reduce_min3A_256 = vector.multi_reduction <minsi>, %select_n3A_254, %reduce_min3A_255 [1] : vector<256x128xi32> to vector<256xi32>
    %broadcast_in_dim3A_257 = vector.shape_cast %reduce_min3A_256 : vector<256xi32> to vector<256x1xi32>
    %lt3A_258 = arith.cmpf olt, %broadcast_in_dim3A_246, %convert_element_type3A_225 : vector<256x1xf32>
    %select_n3A_259 = arith.select %lt3A_258, %broadcast_in_dim3A_257, %select_n3A_222 : vector<256x1xi1>, vector<256x1xi32>
    %swap3A_260 = arith.constant 0 : index
    %swap3A_261 = arith.constant 0 : index
    %swap3A_262 = vector.load %arg5[%swap3A_260, %swap3A_261] : memref<256x1xi32, #tpu.memory_space<vmem>>, vector<256x1xi32>
    tpu.vector_store %arg5[%swap3A_260, %swap3A_261], %select_n3A_259 {strides = array<i32>} : memref<256x1xi32, #tpu.memory_space<vmem>>, vector<256x1xi32>,
    return
  }
  func.func @transform_0(%arg0: i32) -> (i32, i32) {
    %c0_i32 = arith.constant 0 : i32
    %c0_i32_0 = arith.constant 0 : i32
    return %arg0, %c0_i32 : i32, i32
  }
  func.func @transform_1(%arg0: i32) -> (i32, i32) {
    %c0_i32 = arith.constant 0 : i32
    %c0_i32_0 = arith.constant 0 : i32
    %c0_i32_1 = arith.constant 0 : i32
    return %c0_i32, %c0_i32_0 : i32, i32
  }
  func.func @transform_2(%arg0: i32) -> (i32, i32) {
    %c0_i32 = arith.constant 0 : i32
    %c0_i32_0 = arith.constant 0 : i32
    %c0_i32_1 = arith.constant 0 : i32
    return %c0_i32, %c0_i32_0 : i32, i32
  }
  func.func @transform_3(%arg0: i32) -> (i32, i32) {
    %c0_i32 = arith.constant 0 : i32
    %c0_i32_0 = arith.constant 0 : i32
    return %arg0, %c0_i32 : i32, i32
  }
  func.func @transform_4(%arg0: i32) -> (i32, i32) {
    %c0_i32 = arith.constant 0 : i32
    %c0_i32_0 = arith.constant 0 : i32
    return %arg0, %c0_i32 : i32, i32
  }
}

</mosaic_0001>

<sc_bundles>
// kernel: kernel.4.cloned.1.call-start
scs
__scs_entry_jumppad:
0x0: {  	(pc) =	sbr.rel $0x88, $3  }
0x1: {  	(tag) =	ssettag $0x0;
	lr =	simm.s32 $0x1  }
0x2: {  	[smem:$0x3F9E] =	sst lr;
	_ =	strace $0xD0000000  }
0x3: {  	_ = 	snop  }
0x4: {  	_ = 	snop  }
0x5: {  	_ = 	snop  }
0x6: {  	_ = 	snop  }
0x7: {  	_ = 	snop  }
__scs_overlays_trampoline_lowered:
0x8: {  	[smem:$0x3FAD] =	sst s0  }
0x9: {  	[smem:$0x3FAE] =	sst s1  }
0xa: {  	[smem:$0x3FAF] =	sst s2  }
0xb: {  	[smem:$0x3FB0] =	sst s3  }
0xc: {  	[smem:$0x3FB1] =	sst s4  }
0xd: {  	[smem:$0x3FB2] =	sst s5  }
0xe: {  	[smem:$0x3FB3] =	sst s6  }
0xf: {  	[smem:$0x3FB4] =	sst s7  }
0x10: {  	[smem:$0x3FB5] =	sst s8  }
0x11: {  	[smem:$0x3FB6] =	sst s9;
	s0 =	simm.s32 @!p0 $0x0  }
0x12: {  	s1 =	sld [smem:$0x3F9C];
	s0 =	simm.s32 @p0 $0x1  }
0x13: {  	[smem:$0x3FB7] =	sst s0;
	s0 =	simm.s32 @!p1 $0x0  }
0x14: {  	s2 =	sld [smem:$0x3F9B];
	s0 =	simm.s32 @p1 $0x1  }
0x15: {  	[smem:$0x3FB8] =	sst s0;
	s0 =	simm.s32 @!p2 $0x0  }
0x16: {  	s3 =	sld [smem:$0x3FDB];
	s0 =	simm.s32 @p2 $0x1  }
0x17: {  	s4 =	simm.s32 $0x1BF5;
	[smem:$0x3FBA] =	sst s0  }
0x18: {  	s0 =	sld [smem:$0x3F9D];
	_ =	swait.ge [sflag:s4], $0x0  }
0x19: {  	s7 =	sld [smem:$0x3F9E]  }
0x1a: {  	s8 =	sadd.s32 $0xFFFFE003, lr  }
0x1b: {  	s9 =	sadd.s32 $0xFFFFFEF7, lr;
	s5 =	simm.s32 $0xFFFFFFFF;
	p2 =	slt.u32 s8, $0xFFFFF086  }
0x1c: {  	p1 =	slt.u32 s9, $0xF7A;
	s5 =	simm.s32 @!p2 $0x0  }
0x1d: {  	s5 =	simm.s32 @p1 $0x1;
	p0 =	seq.s32 s7, s2  }
0x1e: {  	s7 =	smul.u32 @!p0 $0xF7A, s2;
	p2 =	seq.s32 @!p0 s5, $0x0  }
0x1f: {  	s9 =	smul.u32 $0xF7A, s1;
	s8 =	simm.s32 @!p0 $0x1BF5;
	p2 =	por !p2, p0  }
0x20: {  	[sflag:s8] =	ssyncset.s32 @!p0 $0xFFFFF086;
	s6 =	sadd.s32 @!p0 s3, s7;
	s7 =	simm.s32 @!p0 $0x108  }
0x21: {  	s3 =	sadd.s32 s3, s9;
	s6 =	sadd.s32 @!p0 $0x88, s6;
	s7 =	simm.s32 @p2 $0x1082  }
0x22: {  	[simem:s7], [sflag:s8] =	dma.local @!p0 [hbm:s6], $0xF7A  }
0x23: {  	s9 =	sor.u32 $0xD0000000, s2;
	s6 =	simm.s32 $0x108;
	_ =	swait.ge @!p0 [sflag:s8], $0x0  }
0x24: {  	s3 =	sadd.s32 $0x88, s3;
	s6 =	simm.s32 @!p1 $0x1082;
	[sflag:s4] =	ssyncset.s32 $0xFFFFF086  }
0x25: {  	[simem:s6], [sflag:s4] =	dma.local [hbm:s3], $0xF7A  }
0x26: {  	[smem:$0x3F9E] =	sst s1;
	(tag) =	ssettag s2;
	_ =	strace s9  }
0x27: {  	s1 =	sld [smem:$0x3FAE]  }
0x28: {  	s2 =	sld [smem:$0x3FAF]  }
0x29: {  	s4 =	sld [smem:$0x3FB1]  }
0x2a: {  	p0 =	seq.s32 s5, $0x0;
	s5 =	sld [smem:$0x3FB2]  }
0x2b: {  	s6 =	sld [smem:$0x3FB3]  }
0x2c: {  	s7 =	sld [smem:$0x3FB4]  }
0x2d: {  	s3 =	simm.s32 $0x108;
	s8 =	sld [smem:$0x3FB5]  }
0x2e: {  	s3 =	simm.s32 @!p0 $0x1082;
	s9 =	sld [smem:$0x3FB6]  }
0x2f: {  	lr =	sadd.s32 s0, s3;
	s0 =	sld [smem:$0x3FAD]  }
0x30: {  	s3 =	sld [smem:$0x3FB0]  }
0x31: {  	[smem:$0x3FB9] =	sst s10  }
0x32: {  	s10 =	sld [smem:$0x3FB7];
	_ =	sdelay $0x3  }
0x33: {  	p0 =	seq.s32 s10, $0x1;
	s10 =	sld [smem:$0x3FB9];
	_ =	sdelay $0x3  }
0x34: {  	[smem:$0x3FB9] =	sst s10  }
0x35: {  	s10 =	sld [smem:$0x3FB8];
	_ =	sdelay $0x3  }
0x36: {  	p1 =	seq.s32 s10, $0x1;
	s10 =	sld [smem:$0x3FB9];
	_ =	sdelay $0x3  }
0x37: {  	[smem:$0x3FB9] =	sst s10  }
0x38: {  	s10 =	sld [smem:$0x3FBA]  }
0x39: {  	_ = 	snop;
	(pc) =	sbr.ind lr, $3  }
0x3a: {  	_ = 	snop  }
0x3b: {  	_ = 	snop  }
0x3c: {  	p2 =	seq.s32 s10, $0x1;
	s10 =	sld [smem:$0x3FB9]  }
0x3d: {  	_ =	shalt  }
0x3e: {  	_ =	shalt  }
0x3f: {  	_ =	shalt  }
0x40: {  	_ =	shalt  }
0x41: {  	_ =	shalt  }
0x42: {  	_ =	shalt  }
0x43: {  	_ =	shalt  }
0x44: {  	_ =	shalt  }
0x45: {  	_ =	shalt  }
0x46: {  	_ =	shalt  }
0x47: {  	_ =	shalt  }
0x48: {  	_ =	shalt  }
0x49: {  	_ =	shalt  }
0x4a: {  	_ =	shalt  }
0x4b: {  	_ =	shalt  }
0x4c: {  	_ =	shalt  }
0x4d: {  	_ =	shalt  }
0x4e: {  	_ =	shalt  }
0x4f: {  	_ =	shalt  }
0x50: {  	_ =	shalt  }
0x51: {  	_ =	shalt  }
0x52: {  	_ =	shalt  }
0x53: {  	_ =	shalt  }
0x54: {  	_ =	shalt  }
0x55: {  	_ =	shalt  }
0x56: {  	_ =	shalt  }
0x57: {  	_ =	shalt  }
0x58: {  	_ =	shalt  }
0x59: {  	_ =	shalt  }
0x5a: {  	_ =	shalt  }
0x5b: {  	_ =	shalt  }
0x5c: {  	_ =	shalt  }
0x5d: {  	_ =	shalt  }
0x5e: {  	_ =	shalt  }
0x5f: {  	_ =	shalt  }
0x60: {  	_ =	shalt  }
0x61: {  	_ =	shalt  }
0x62: {  	_ =	shalt  }
0x63: {  	_ =	shalt  }
0x64: {  	_ =	shalt  }
0x65: {  	_ =	shalt  }
0x66: {  	_ =	shalt  }
0x67: {  	_ =	shalt  }
0x68: {  	_ =	shalt  }
0x69: {  	_ =	shalt  }
0x6a: {  	_ =	shalt  }
0x6b: {  	_ =	shalt  }
0x6c: {  	_ =	shalt  }
0x6d: {  	_ =	shalt  }
0x6e: {  	_ =	shalt  }
0x6f: {  	_ =	shalt  }
0x70: {  	_ =	shalt  }
0x71: {  	_ =	shalt  }
0x72: {  	_ =	shalt  }
0x73: {  	_ =	shalt  }
0x74: {  	_ =	shalt  }
0x75: {  	_ =	shalt  }
0x76: {  	_ =	shalt  }
0x77: {  	_ =	shalt  }
0x78: {  	_ =	shalt  }
0x79: {  	_ =	shalt  }
0x7a: {  	_ =	shalt  }
0x7b: {  	_ =	shalt  }
0x7c: {  	_ =	shalt  }
0x7d: {  	_ =	shalt  }
0x7e: {  	_ =	shalt  }
0x7f: {  	_ =	shalt  }
0x80: {  	_ =	shalt  }
0x81: {  	_ =	shalt  }
0x82: {  	_ =	shalt  }
0x83: {  	_ =	shalt  }
0x84: {  	_ =	shalt  }
0x85: {  	_ =	shalt  }
0x86: {  	_ =	shalt  }
0x87: {  	_ =	shalt  }
.Lfunc_end0:
.L_simem_size_0:
called_computation_lowered:
.L_overlay_start_0:
0x88: {  	s2 =	sld [smem:$0x3FD9]  }
0x89: {  	s3 =	sld [smem:$0x3FFE];
	_ =	sdelay $0x1  }
0x8a: {  	s1 =	srdreg.scid  }
0x8b: {  	s0 =	sand.u32 $0x1, s1  }
0x8c: {  	s14 =	sshll.u32 s0, $0xA;
	s2 =	sadd.s32 s3, s2  }
0x8d: {  	s2 =	sadd.s32 s2, s14  }
0x8e: {  	[smem:$0x3FC5] =	sst s2  }
0x8f: {  	_ = 	snop  }
0x90: {  	s2 =	sld [smem:$0x3FD0];
	_ =	sdelay $0x1  }
0x91: {  	s15 =	sld [smem:$0x3FC8]  }
0x92: {  	s5 =	simm.s32 $0xA;
	s6 =	simm.s32 $0x10;
	s4 =	sld [smem:$0x3FC7]  }
0x93: {  	[smem:s6], [sflag:s5] =	dma.local [hbm:s2], $0x1  }
0x94: {  	_ =	swait.eq [sflag:s5], $0x1  }
0x95: {  	s16 =	sld [smem:$0x10];
	[sflag:s5] =	ssyncset.done $0x0  }
0x96: {  	s17 =	sld [smem:$0x11];
	[sflag:s5] =	ssyncadd.s32 $0xFFFFFFFF  }
0x97: {  	s18 =	sld [smem:$0x12];
	(tm) =	ssettm $0x1  }
0x98: {  	s7 =	sld [smem:$0x3FFB];
	_ =	sdelay $0x3  }
0x99: {  	_ =	strace s7  }
0x9a: {  	s7 =	sld [smem:$0x3FFC];
	_ =	sdelay $0x3  }
0x9b: {  	_ =	strace s7  }
0x9c: {  	s7 =	sld [smem:$0x3FFD];
	_ =	sdelay $0x3  }
0x9d: {  	_ =	strace s7  }
0x9e: {  	_ =	strace $0x8FFFFFFF  }
0x9f: {  	s19 =	sld [smem:$0x3FDB];
	_ =	sdelay $0x1  }
0xa0: {  	s8 =	simm.s32 $_scs_section_size  }
0xa1: {  	s9 =	simm.s32 $_size__tile_overlayer_lowered;
	s10 =	simm.s32 $_tile_overlayer_lowered  }
0xa2: {  	s22 =	simm.s32 $0x1BFF;
	s21 =	sshll.u32 s10, $0x1;
	s7 =	sadd.s32 s8, s19  }
0xa3: {  	s11 =	simm.s32 $0x0;
	s20 =	sshll.u32 s9, $0x1;
	s9 =	sadd.s32 s21, s7  }
0xa4: {  	[timem:s11], [sflag:s22] =	dma.local [hbm:s9], s20  }
0xa5: {  	_ =	swait.ge [sflag:s22], s20  }
0xa6: {  	s8 =	ssub.s32 $0x0, s20;
	[sflag:s22] =	ssyncset.done $0x0  }
0xa7: {  	[sflag:s22] =	ssyncadd.s32 s8;
	_ =	sdelay $0x1  }
0xa8: {  	s23 =	simm.s32 $0x1B8B  }
0xa9: {  	_ =	swait.ge [sflag:s23], $0x1  }
0xaa: {  	[sflag:s23] =	ssyncset.done $0x0  }
0xab: {  	s25 =	simm.s32 $0x1B8E;
	s24 =	sld [smem:$0x3FFE];
	[sflag:s23] =	ssyncadd.s32 $0xFFFFFFFF  }
0xac: {  	s26 =	simm.s32 $execute0_lowered;
	[smem:$0x3FD2] =	sst s25  }
0xad: {  	s9 =	sshll.u32 s26, $0x1;
	_ =	strace $0x80000046;
	[dreg:$0x1] =	wrdreg $0xFFFFFFFF  }
0xae: {  	s28 =	simm.s32 $_size_execute0_lowered;
	s7 =	sadd.s32 s7, s9;
	[dreg:$0x0] =	wrdreg $0x0  }
0xaf: {  	s9 =	sshll.u32 s28, $0x1;
	[dreg:$0x2] =	wrdreg s7  }
0xb0: {  	[dreg:$0x3] =	wrdreg s9  }
0xb1: {  	[dreg:$0x4] =	wrdreg $0xC0  }
0xb2: {  	_ =	task [dreg:s11], $0x5FFFF  }
0xb3: {  	[dreg:$0x1] =	wrdreg $0xFFFFFFFF  }
0xb4: {  	[dreg:$0x0] =	wrdreg $0x60  }
0xb5: {  	[dreg:$0x2] =	wrdreg s16  }
0xb6: {  	[dreg:$0x3] =	wrdreg s24  }
0xb7: {  	[dreg:$0x4] =	wrdreg s15  }
0xb8: {  	[dreg:$0x5] =	wrdreg s4  }
0xb9: {  	[dreg:$0x6] =	wrdreg s17  }
0xba: {  	[dreg:$0x7] =	wrdreg s18  }
0xbb: {  	[dreg:$0x8] =	wrdreg $0x9  }
0xbc: {  	_ =	task.clear_ibuf [dreg:s11], $0x9FFFF;
	_ =	strace $0x90000046  }
0xbd: {  	s29 =	simm.s32 $0x9;
	_ =	strace $0x80000048  }
0xbe: {  	_ =	swait.ge [sflag:s29], $0x1  }
0xbf: {  	[sflag:s29] =	ssyncadd.s32 $0xFFFFFFFF  }
0xc0: {  	_ =	strace $0x90000048  }
0xc1: {  	_ =	sfence  }
0xc2: {  	s30 =	sld [smem:$0x0];
	_ =	sdelay $0x2  }
0xc3: {  	s31 =	sshll.u32 s1, $0xD;
	s1 =	sshrl.u32 s1, $0x2  }
0xc4: {  	s3 =	sand.u32 $0x4000, s31;
	s1 =	sadd.s32 s1, s30  }
0xc5: {  	s0 =	sor.u32 s3, s0;
	s1 =	sshll.u32 s1, $0x11  }
0xc6: {  	s0 =	sor.u32 s1, s0  }
0xc7: {  	s0 =	sadd.s32 $0x8F2B, s0  }
0xc8: {  	[sflag:s0] =	ssyncadd.remote.s32 $0x1  }
0xc9: {  	_ =	sfence.sel $0xFFFF  }
0xca: {  	[dreg:$0x0] =	wrdreg $0xFFFFFFFF;
	(pc) =	sbr.abs _section_cstart, $3  }
0xcb: {  	[dreg:$0x1] =	wrdreg $0xFFFFFFFF  }
0xcc: {  	_ =	task.clear_ibuf [dreg:s11], $0x2FFFF;
	_ =	strace $0x9FFFFFFF  }
0xcd: {  	(tm) =	ssettm $0x7FFFFFFF  }
tec
execute0_lowered:
.L_overlay_start_1:
0x0: {  	(tag) =	ssettag $0x1  }
0x1: {  	s0 =	rddreg [dreg:$0x0]  }
0x2: {  	s26 =	rddreg [dreg:$0x1]  }
0x3: {  	s1 =	rddreg [dreg:$0x2]  }
0x4: {  	s2 =	rddreg [dreg:$0x3]  }
0x5: {  	s10 =	rddreg [dreg:$0x4]  }
0x6: {  	s9 =	rddreg [dreg:$0x5]  }
0x7: {  	s4 =	srdreg.scid;
	s3 =	stileid.u32;
	s15 =	simm.s32 $0x20  }
0x8: {  	s16 =	simm.s32 $0x200;
	s17 =	simm.s32 $0x1;
	s18 =	simm.s32 $0x1200  }
0x9: {  	s19 =	simm.s32 $0x100;
	s20 =	simm.s32 $0x2200;
	s21 =	simm.s32 $0x180  }
0xa: {  	s22 =	simm.s32 $0xA200;
	s23 =	simm.s32 $0x400;
	s24 =	simm.s32 $0xC00  }
0xb: {  	s25 =	simm.s32 $0x800;
	[dreg:$0x7] =	wrdreg s0;
	s8 =	sand.u32 $0x1, s4  }
0xc: {  	s4 =	simm.s32 $0x0;
	s5 =	sshll.u32 s3, $0x8;
	s28 =	sshll.u32 s3, $0xC  }
0xd: {  	s30 =	smul.u32 $0x18000, s3;
	s6 =	sshll.u32 s8, $0x7;
	[smem:$0x7FF] =	sst s4  }
0xe: {  	s7 =	ssub.s32 $0x2, s8;
	s0 =	sadd.s32 s28, s26;
	s13 =	sshll.u32 s8, $0xB  }
0xf: {  	s14 =	smul.u32 $0xC000, s8;
	s6 =	sor.u32 s6, s5;
	_ =	strace $0x80000047  }
0x10: {  	s5 =	sadd.s32 $0x800, s26;
	s29 =	sshrl.u32 s7, $0x1;
	s0 =	sadd.s32 s13, s0  }
0x11: {  	s31 =	sadd.s32 s30, s10;
	s13 =	simm.s32 $0x2;
	s11 =	sshrl.u32 s6, $0x3  }
0x12: {  	s6 =	ssub.s32 s7, s29;
	s7 =	sadd.s32 $0x40C00, s0;
	s8 =	sadd.s32 $0x50C00, s0  }
0x13: {  	s0 =	sadd.s32 s14, s31;
	s14 =	simm.s32 $0x80;
	s12 =	sadd.s32 s11, s26  }
0x14: {  	s6 =	smax.u32 s6, $0x1;
	s9 =	sadd.s32 s11, s9;
	s26 =	simm.s32 $0x0  }
0x15: {  	s10 =	sadd.s32 $0x40A00, s12;
	s11 =	sadd.s32 $0x40800, s12;
	s12 =	sadd.s32 $0x80, s0  }
.LBB2_1:
0x16: {  	s0 =	sadd.s32 $0x0, s11  }
0x17: {  	[tilespmem:s4], [sflag:$0x2] =	stream.linear.gather [hbm4b:s0+s4], $0x20, $0x38;
	[tilespmem:$0x1A200] =	vst v63  }
0x18: {  	_ =	swait.ge [sflag:s13], $0x20  }
0x19: {  	[sflag:s13] =	ssyncset.done $0x0  }
0x1a: {  	s3 =	sadd.s32 $0x0, s10;
	[sflag:s13] =	ssyncadd.s32 $0xFFFFFFE0  }
0x1b: {  	[tilespmem:s14], [sflag:$0x2] =	stream.linear.gather [hbm4b:s3+s4], $0x20, $0x38;
	[tilespmem:$0x1A200] =	vst v63  }
0x1c: {  	_ =	swait.ge [sflag:s13], $0x20  }
0x1d: {  	[sflag:s13] =	ssyncset.done $0x0  }
0x1e: {  	[sflag:s13] =	ssyncadd.s32 $0xFFFFFFE0  }
0x1f: {  	v0 =	vld [tilespmem:$0x90]  }
0x20: {  	v1 =	vld [tilespmem:$0x10]  }
0x21: {  	v2 =	vld [tilespmem:$0x0]  }
0x22: {  	v3 =	vld [tilespmem:$0x80];
	_ =	sdelay $0x1  }
0x23: {  	v0 =	vshra.s32 v0, $0x4  }
0x24: {  	v1 =	vshra.s32 v1, $0x3;
	[tilespmem:$0x190] =	vst v0  }
0x25: {  	v62 =	vshra.s32 v2, $0x3;
	[tilespmem:$0x110] =	vst v1  }
0x26: {  	v63 =	vshra.s32 v3, $0x4;
	[tilespmem:$0x100] =	vst v62  }
0x27: {  	s3 =	rddreg [dreg:$0x7];
	[tilespmem:$0x180] =	vst v63  }
0x28: {  	[tilespmem:s16], [sflag:$0x1] =	stream.indirect.gather [hbm4b:s3+s15], $0x80, s4, s15, $0xb8;
	[tilespmem:$0x1A200] =	vst v63  }
0x29: {  	_ =	swait.ge [sflag:s17], $0x1000  }
0x2a: {  	[sflag:s17] =	ssyncset.done $0x0  }
0x2b: {  	[sflag:s17] =	ssyncadd.s32 $0xFFFFF000  }
0x2c: {  	[tilespmem:s18], [sflag:$0x1] =	stream.indirect.gather [hbm4b:s5+s15], $0x80, s14, s15, $0xb8;
	[tilespmem:$0x1A200] =	vst v63  }
0x2d: {  	_ =	swait.ge [sflag:s17], $0x1000  }
0x2e: {  	[sflag:s17] =	ssyncset.done $0x0  }
0x2f: {  	[sflag:s17] =	ssyncadd.s32 $0xFFFFF000  }
0x30: {  	[tilespmem:s20], [sflag:$0x1] =	stream.indirect.gather [hbm4b:s1+s15], $0x400, s19, s15, $0xb8;
	[tilespmem:$0x1A200] =	vst v63  }
0x31: {  	_ =	swait.ge [sflag:s17], $0x8000  }
0x32: {  	[sflag:s17] =	ssyncset.done $0x0  }
0x33: {  	[sflag:s17] =	ssyncadd.s32 $0xFFFF8000  }
0x34: {  	[tilespmem:s22], [sflag:$0x1] =	stream.indirect.gather [hbm4b:s2+s15], $0x800, s21, s15, $0xb8;
	[tilespmem:$0x1A200] =	vst v63  }
0x35: {  	_ =	swait.ge [sflag:s17], $0x10000  }
0x36: {  	[sflag:s17] =	ssyncset.done $0x0  }
0x37: {  	[sflag:s17] =	ssyncadd.s32 $0xFFFF0000  }
0x38: {  	[hbm4b:s7+s4] =	stream.linear.scatter [tilespmem:s16], [sflag:$0x2], $0x1000, $0x38;
	[tilespmem:$0x1A200] =	vst v63  }
0x39: {  	_ =	swait.ge [sflag:s13], $0x1000  }
0x3a: {  	[sflag:s13] =	ssyncset.done $0x0  }
0x3b: {  	[sflag:s13] =	ssyncadd.s32 $0xFFFFF000  }
0x3c: {  	[hbm4b:s8+s4] =	stream.linear.scatter [tilespmem:s18], [sflag:$0x2], $0x1000, $0x38;
	[tilespmem:$0x1A200] =	vst v63  }
0x3d: {  	_ =	swait.ge [sflag:s13], $0x1000  }
0x3e: {  	[sflag:s13] =	ssyncset.done $0x0  }
0x3f: {  	s3 =	sadd.s32 $0xFFFFFF80, s12;
	[sflag:s13] =	ssyncadd.s32 $0xFFFFF000  }
0x40: {  	[hbm4b:s3+s23] =	stream.strided.scatter [tilespmem:s20], [sflag:$0x2], $0x8000, s24, s23, $0x38;
	[tilespmem:$0x1A200] =	vst v63  }
0x41: {  	_ =	swait.ge [sflag:s13], $0x8000  }
0x42: {  	[sflag:s13] =	ssyncset.done $0x0  }
0x43: {  	[sflag:s13] =	ssyncadd.s32 $0xFFFF8000  }
0x44: {  	[hbm4b:s12+s25] =	stream.strided.scatter [tilespmem:s22], [sflag:$0x2], $0x10000, s24, s25, $0x38;
	[tilespmem:$0x1A200] =	vst v63  }
0x45: {  	s28 =	simm.s32 $0x4;
	_ =	swait.ge [sflag:s13], $0x10000  }
0x46: {  	s29 =	sadd.s32 $0x3000, s12;
	s30 =	sadd.s32 $0x200, s7;
	[sflag:s13] =	ssyncset.done $0x0  }
0x47: {  	s31 =	sadd.s32 $0x200, s8;
	s0 =	sadd.s32 $0x0, s9;
	[sflag:s13] =	ssyncadd.s32 $0xFFFF0000  }
.LBB2_2:
0x48: {  	[hbm4b:s0+s4] =	stream.linear.scatter [tilespmem:s21], [sflag:$0x2], $0x20, $0x38;
	[tilespmem:$0x1A200] =	vst v63  }
0x49: {  	_ =	swait.ge [sflag:s13], $0x20  }
0x4a: {  	s0 =	smov.u32 s28;
	[sflag:s13] =	ssyncset.done $0x0  }
0x4b: {  	s3 =	sadd.s32 s0, s11;
	[sflag:s13] =	ssyncadd.s32 $0xFFFFFFE0  }
0x4c: {  	[tilespmem:s4], [sflag:$0x2] =	stream.linear.gather [hbm4b:s3+s4], $0x20, $0x38;
	[tilespmem:$0x1A200] =	vst v63  }
0x4d: {  	_ =	swait.ge [sflag:s13], $0x20  }
0x4e: {  	[sflag:s13] =	ssyncset.done $0x0  }
0x4f: {  	s3 =	sadd.s32 s0, s10;
	[sflag:s13] =	ssyncadd.s32 $0xFFFFFFE0  }
0x50: {  	[tilespmem:s14], [sflag:$0x2] =	stream.linear.gather [hbm4b:s3+s4], $0x20, $0x38;
	[tilespmem:$0x1A200] =	vst v63  }
0x51: {  	_ =	swait.ge [sflag:s13], $0x20  }
0x52: {  	[sflag:s13] =	ssyncset.done $0x0  }
0x53: {  	[sflag:s13] =	ssyncadd.s32 $0xFFFFFFE0  }
0x54: {  	v0 =	vld [tilespmem:$0x90]  }
0x55: {  	v1 =	vld [tilespmem:$0x10]  }
0x56: {  	v2 =	vld [tilespmem:$0x0]  }
0x57: {  	v3 =	vld [tilespmem:$0x80];
	_ =	sdelay $0x1  }
0x58: {  	v0 =	vshra.s32 v0, $0x4  }
0x59: {  	v1 =	vshra.s32 v1, $0x3;
	[tilespmem:$0x190] =	vst v0  }
0x5a: {  	v62 =	vshra.s32 v2, $0x3;
	[tilespmem:$0x110] =	vst v1  }
0x5b: {  	v63 =	vshra.s32 v3, $0x4;
	[tilespmem:$0x100] =	vst v62  }
0x5c: {  	s3 =	rddreg [dreg:$0x7];
	[tilespmem:$0x180] =	vst v63  }
0x5d: {  	[tilespmem:s16], [sflag:$0x1] =	stream.indirect.gather [hbm4b:s3+s15], $0x80, s4, s15, $0xb8;
	[tilespmem:$0x1A200] =	vst v63  }
0x5e: {  	_ =	swait.ge [sflag:s17], $0x1000  }
0x5f: {  	[sflag:s17] =	ssyncset.done $0x0  }
0x60: {  	[sflag:s17] =	ssyncadd.s32 $0xFFFFF000  }
0x61: {  	[tilespmem:s18], [sflag:$0x1] =	stream.indirect.gather [hbm4b:s5+s15], $0x80, s14, s15, $0xb8;
	[tilespmem:$0x1A200] =	vst v63  }
0x62: {  	_ =	swait.ge [sflag:s17], $0x1000  }
0x63: {  	[sflag:s17] =	ssyncset.done $0x0  }
0x64: {  	[sflag:s17] =	ssyncadd.s32 $0xFFFFF000  }
0x65: {  	[tilespmem:s20], [sflag:$0x1] =	stream.indirect.gather [hbm4b:s1+s15], $0x400, s19, s15, $0xb8;
	[tilespmem:$0x1A200] =	vst v63  }
0x66: {  	_ =	swait.ge [sflag:s17], $0x8000  }
0x67: {  	[sflag:s17] =	ssyncset.done $0x0  }
0x68: {  	[sflag:s17] =	ssyncadd.s32 $0xFFFF8000  }
0x69: {  	[tilespmem:s22], [sflag:$0x1] =	stream.indirect.gather [hbm4b:s2+s15], $0x800, s21, s15, $0xb8;
	[tilespmem:$0x1A200] =	vst v63  }
0x6a: {  	_ =	swait.ge [sflag:s17], $0x10000  }
0x6b: {  	[sflag:s17] =	ssyncset.done $0x0  }
0x6c: {  	[sflag:s17] =	ssyncadd.s32 $0xFFFF0000  }
0x6d: {  	[hbm4b:s30+s4] =	stream.linear.scatter [tilespmem:s16], [sflag:$0x2], $0x1000, $0x38;
	[tilespmem:$0x1A200] =	vst v63  }
0x6e: {  	_ =	swait.ge [sflag:s13], $0x1000  }
0x6f: {  	[sflag:s13] =	ssyncset.done $0x0  }
0x70: {  	[sflag:s13] =	ssyncadd.s32 $0xFFFFF000  }
0x71: {  	[hbm4b:s31+s4] =	stream.linear.scatter [tilespmem:s18], [sflag:$0x2], $0x1000, $0x38;
	[tilespmem:$0x1A200] =	vst v63  }
0x72: {  	_ =	swait.ge [sflag:s13], $0x1000  }
0x73: {  	[sflag:s13] =	ssyncset.done $0x0  }
0x74: {  	s3 =	sadd.s32 $0xFFFFFF80, s29;
	[sflag:s13] =	ssyncadd.s32 $0xFFFFF000  }
0x75: {  	[hbm4b:s3+s23] =	stream.strided.scatter [tilespmem:s20], [sflag:$0x2], $0x8000, s24, s23, $0x38;
	[tilespmem:$0x1A200] =	vst v63  }
0x76: {  	_ =	swait.ge [sflag:s13], $0x8000  }
0x77: {  	p0 =	sne.s32 s28, $0xC;
	[sflag:s13] =	ssyncset.done $0x0  }
.Ltmp0:
0x78: {  	[sflag:s13] =	ssyncadd.s32 $0xFFFF8000;
	(pc) =	sbr.rel @p0 .LBB2_2-.Ltmp0, $4  }
0x79: {  	[hbm4b:s29+s25] =	stream.strided.scatter [tilespmem:s22], [sflag:$0x2], $0x10000, s24, s25, $0x38;
	[tilespmem:$0x1A200] =	vst v63  }
0x7a: {  	s28 =	sadd.s32 $0x4, s28;
	_ =	swait.ge [sflag:s13], $0x10000  }
0x7b: {  	s0 =	sadd.s32 s0, s9;
	s30 =	sadd.s32 $0x200, s30;
	[sflag:s13] =	ssyncset.done $0x0  }
0x7c: {  	s31 =	sadd.s32 $0x200, s31;
	s29 =	sadd.s32 $0x3000, s29;
	[sflag:s13] =	ssyncadd.s32 $0xFFFF0000  }
0x7d: {  	s26 =	sadd.s32 $0x1, s26  }
0x7e: {  	p0 =	sne.s32 s26, s6  }
.Ltmp1:
0x7f: {  	_ = 	snop;
	(pc) =	sbr.rel @p0 .LBB2_1-.Ltmp1, $4  }
0x80: {  	[hbm4b:s0+s4] =	stream.linear.scatter [tilespmem:s21], [sflag:$0x2], $0x20, $0x38;
	[tilespmem:$0x1A200] =	vst v63  }
0x81: {  	_ =	swait.ge [sflag:s13], $0x20  }
0x82: {  	[sflag:s13] =	ssyncset.done $0x0  }
0x83: {  	[sflag:s13] =	ssyncadd.s32 $0xFFFFFFE0  }
0x84: {  	_ =	sfence.sel $0x180000  }
0x85: {  	[bflag:$0x0] =	sbarrier.arrive $0xFFFF  }
0x86: {  	_ =	strace $0x90000047  }
0x87: {  	s0 =	stileid.u32;
	[bflag:$0x2] =	sbarrier.arrive $0xFFFF  }
0x88: {  	p0 =	sne.s32 s0, $0x0;
	s0 =	rddreg [dreg:$0x6]  }
0x89: {  	s0 =	sadd.s32 @!p0 $0x100000, s0  }
0x8a: {  	[sflag:s0] =	ssyncadd.tile.s32 @!p0 $0x1;
	_ =	shalt  }
.Lfunc_end2:
_tile_overlayer_lowered:
.L_overlay_start_2:
0x8b: {  	(tag) =	ssettag $0x2  }
0x8c: {  	s0 =	rddreg [dreg:$0x0];
	s2 =	stileid.u32  }
0x8d: {  	s1 =	rddreg [dreg:$0x1];
	p0 =	sne.s32 s2, $0x0  }
0x8e: {  	s3 =	rddreg [dreg:$0x2];
	[bflag:$0x3] =	sbarrier.arrive $0xFFFF;
	s2 =	simm.s32 @!p0 $0x1C02  }
0x8f: {  	[timem:s3], [sflag:s2] =	dma.local @!p0 [hbm:s0], s1  }
0x90: {  	s0 =	simm.s32 @!p0 $0x2  }
0x91: {  	_ =	swait.ge @!p0 [sflag:s0], s1  }
0x92: {  	s1 =	ssub.s32 @!p0 $0x0, s1;
	[sflag:s0] =	ssyncset.done @!p0 $0x0  }
0x93: {  	[sflag:s0] =	ssyncadd.s32 @!p0 s1  }
0x94: {  	[bflag:$0x3] =	sbarrier.arrive $0xFFFF  }
0x95: {  	_ =	shalt  }

</sc_bundles>
